<compile_context>
chip_gen: v7x
topology: tpu7x:2x2x1
jax: 0.10.2.dev20260603
libtpu: 0.0.44.dev20260713+nightly
codegen_flags: <defaults>
</compile_context>

<pallas_src>
import jax
import jax.numpy as jnp
from jax import lax
from jax.experimental import pallas as pl
from jax.experimental.pallas import tpu as pltpu

B, SRC_LEN, TRG_LEN = 32, 50, 8
VOCAB, EMB, HID = 100000, 256, 512
TOPK = 10
VBLK = 4096
NV = (VOCAB + VBLK - 1) // VBLK
NEG = -1e30
BIGI = 2**31 - 1

_interpret = False


def _lstm_math(g, c):
    i = jax.nn.sigmoid(g[:, :HID])
    f = jax.nn.sigmoid(g[:, HID:2 * HID])
    gg = jnp.tanh(g[:, 2 * HID:3 * HID])
    o = jax.nn.sigmoid(g[:, 3 * HID:])
    c = f * c + i * gg
    h = o * jnp.tanh(c)
    return h, c


def _enc_kernel(xe_ref, wx_ref, wh_ref, b_ref, outs_ref, h_ref, c_ref):
    wx = wx_ref[...]
    wh = wh_ref[...]
    b = b_ref[...]

    def step(t, hc):
        h, c = hc
        x = xe_ref[t]
        g = (jnp.dot(x, wx, preferred_element_type=jnp.float32)
             + jnp.dot(h, wh, preferred_element_type=jnp.float32) + b)
        h, c = _lstm_math(g, c)
        outs_ref[t] = h
        return (h, c)

    z = jnp.zeros((B, HID), jnp.float32)
    h, c = lax.fori_loop(0, SRC_LEN, step, (z, z))
    h_ref[...] = h
    c_ref[...] = c


def _proj_topk_kernel(h_ref, w_ref, b_ref, out_ref, tv_ref, ti_ref,
                      rv_ref, ri_ref):
    v = pl.program_id(0)

    @pl.when(v == 0)
    def _():
        rv_ref[...] = jnp.full((B, 16), NEG, jnp.float32)
        ri_ref[...] = jnp.full((B, 16), BIGI, jnp.int32)

    x = (jnp.dot(h_ref[...], w_ref[...], preferred_element_type=jnp.float32)
         + b_ref[...])
    out_ref[...] = x
    gcol = v * VBLK + lax.broadcasted_iota(jnp.int32, (B, VBLK), 1)
    xm = jnp.where(gcol < VOCAB, x, NEG)
    rv = rv_ref[...]
    ri = ri_ref[...]
    lane16 = lax.broadcasted_iota(jnp.int32, (B, 16), 1)
    ov = jnp.full((B, 16), NEG, jnp.float32)
    oi = jnp.full((B, 16), BIGI, jnp.int32)
    for i in range(TOPK):
        m = jnp.maximum(jnp.max(xm, axis=1, keepdims=True),
                        jnp.max(rv, axis=1, keepdims=True))
        e1 = xm == m
        e2 = rv == m
        idx = jnp.minimum(
            jnp.min(jnp.where(e1, gcol, BIGI), axis=1, keepdims=True),
            jnp.min(jnp.where(e2, ri, BIGI), axis=1, keepdims=True))
        ov = jnp.where(lane16 == i, m, ov)
        oi = jnp.where(lane16 == i, idx, oi)
        xm = jnp.where(e1 & (gcol == idx), NEG, xm)
        rv = jnp.where(e2 & (ri == idx), NEG, rv)
    rv_ref[...] = ov
    ri_ref[...] = oi

    @pl.when(v == NV - 1)
    def _():
        tv_ref[...] = ov
        ti_ref[...] = oi


ABLK = 4096
NA = (VOCAB + ABLK - 1) // ABLK


def _assemble_kernel(*refs):
    out_ref = refs[-1]
    ins = refs[:-1]
    out_ref[:, 0, :] = jnp.zeros((B, ABLK), jnp.float32)
    for i, r in enumerate(ins):
        out_ref[:, i + 1, :] = r[...]


def _assemble(logits_list):
    return pl.pallas_call(
        _assemble_kernel,
        grid=(NA,),
        in_specs=[pl.BlockSpec((B, ABLK), lambda v: (0, v))
                  for _ in logits_list],
        out_specs=pl.BlockSpec((B, TRG_LEN, ABLK), lambda v: (0, 0, v)),
        out_shape=jax.ShapeDtypeStruct((B, TRG_LEN, VOCAB), jnp.float32),
        interpret=_interpret,
    )(*logits_list)


def _encoder(src_e, Wx_e, Wh_e, b_e):
    return pl.pallas_call(
        _enc_kernel,
        out_shape=[jax.ShapeDtypeStruct((SRC_LEN, B, HID), jnp.float32),
                   jax.ShapeDtypeStruct((B, HID), jnp.float32),
                   jax.ShapeDtypeStruct((B, HID), jnp.float32)],
        interpret=_interpret,
    )(src_e, Wx_e, Wh_e, b_e.reshape(1, 4 * HID))


def _proj_topk(h, W_out, b_out2):
    return pl.pallas_call(
        _proj_topk_kernel,
        grid=(NV,),
        in_specs=[pl.BlockSpec((B, HID), lambda v: (0, 0)),
                  pl.BlockSpec((HID, VBLK), lambda v: (0, v)),
                  pl.BlockSpec((1, VBLK), lambda v: (0, v))],
        out_specs=[pl.BlockSpec((B, VBLK), lambda v: (0, v)),
                   pl.BlockSpec((B, 16), lambda v: (0, 0)),
                   pl.BlockSpec((B, 16), lambda v: (0, 0))],
        out_shape=[jax.ShapeDtypeStruct((B, VOCAB), jnp.float32),
                   jax.ShapeDtypeStruct((B, 16), jnp.float32),
                   jax.ShapeDtypeStruct((B, 16), jnp.int32)],
        scratch_shapes=[pltpu.VMEM((B, 16), jnp.float32),
                        pltpu.VMEM((B, 16), jnp.int32)],
        interpret=_interpret,
    )(h, W_out, b_out2)


def kernel(src, trg, enc_emb, dec_emb, Wx_e, Wh_e, b_e, Wx_d, Wh_d, b_d,
           W_out, b_out):
    src_e = jnp.swapaxes(jnp.take(enc_emb, src, axis=0), 0, 1)
    enc_outs, hidden, cell = _encoder(src_e, Wx_e, Wh_e, b_e)
    encoder_outputs = jnp.swapaxes(enc_outs, 0, 1)
    b_out2 = b_out.reshape(1, VOCAB)
    samp_key = jax.random.key(42)
    outs = []
    inp_tok = trg[:, 0]
    for t in range(1, TRG_LEN):
        emb_t = jnp.take(dec_emb, inp_tok, axis=0)
        scores = jnp.einsum('bsh,bh->bs', encoder_outputs, hidden)
        attn = jax.nn.softmax(scores, axis=-1)
        context = jnp.einsum('bs,bsh->bh', attn, encoder_outputs)
        x_t = jnp.concatenate([emb_t, context], axis=-1)
        gates = x_t @ Wx_d + hidden @ Wh_d + b_d
        i = jax.nn.sigmoid(gates[:, :HID])
        f = jax.nn.sigmoid(gates[:, HID:2 * HID])
        o = jax.nn.sigmoid(gates[:, 3 * HID:])
        g = jnp.tanh(gates[:, 2 * HID:3 * HID])
        cell = f * cell + i * g
        hidden = o * jnp.tanh(cell)
        logits, tv, ti = _proj_topk(hidden, W_out, b_out2)
        outs.append(logits)
        noise = jax.random.gumbel(jax.random.fold_in(samp_key, t),
                                  (B, TOPK), jnp.float32)
        samp = jnp.argmax(tv[:, :TOPK] + noise, axis=-1)
        inp_tok = jnp.take_along_axis(ti[:, :TOPK], samp[:, None],
                                      axis=1).squeeze(1)
    return _assemble(outs)

# --- scband reference (transcript-rebuilt; emitter-appended) ---
"""Pipeline reference for scband-seq2-seq-3255585210462 (READ-ONLY COPY).

The authoritative reference and input builder live on the scoring server;
editing this copy changes nothing except your own understanding.
"""

import jax, jax.numpy as jnp
import numpy as np

B, SRC_LEN, TRG_LEN = 32, 50, 8
VOCAB, EMB, HID = 100000, 256, 512
TOPK = 10


def setup_inputs(seed: int = 0) -> dict:
    key = jax.random.key(seed)
    ks = jax.random.split(key, 12)
    s = 0.02
    return {
        "src": jax.random.randint(ks[0], (B, SRC_LEN), 0, VOCAB),
        "trg": jax.random.randint(ks[1], (B, TRG_LEN), 0, VOCAB),
        "enc_emb": jax.random.normal(ks[2], (VOCAB, EMB), dtype=jnp.float32) * s,
        "dec_emb": jax.random.normal(ks[3], (VOCAB, EMB), dtype=jnp.float32) * s,
        "Wx_e": jax.random.normal(ks[4], (EMB, 4 * HID), dtype=jnp.float32) * s,
        "Wh_e": jax.random.normal(ks[5], (HID, 4 * HID), dtype=jnp.float32) * s,
        "b_e": jnp.zeros((4 * HID,), dtype=jnp.float32),
        "Wx_d": jax.random.normal(ks[6], (EMB + HID, 4 * HID), dtype=jnp.float32) * s,
        "Wh_d": jax.random.normal(ks[7], (HID, 4 * HID), dtype=jnp.float32) * s,
        "b_d": jnp.zeros((4 * HID,), dtype=jnp.float32),
        "W_out": jax.random.normal(ks[8], (HID, VOCAB), dtype=jnp.float32) * s,
        "b_out": jnp.zeros((VOCAB,), dtype=jnp.float32),
    }


def _lstm_cell(x, h, c, Wx, Wh, b):
    gates = x @ Wx + h @ Wh + b
    i, f, g, o = jnp.split(gates, 4, axis=-1)
    i = jax.nn.sigmoid(i)
    f = jax.nn.sigmoid(f)
    o = jax.nn.sigmoid(o)
    g = jnp.tanh(g)
    c = f * c + i * g
    h = o * jnp.tanh(c)
    return h, c


def reference(src, trg, enc_emb, dec_emb, Wx_e, Wh_e, b_e, Wx_d, Wh_d, b_d, W_out, b_out):
    batch_size, trg_len = trg.shape
    # --- encoder: single-layer LSTM over src ---
    src_e = jnp.take(enc_emb, src, axis=0)  # [B, S, EMB]

    def enc_step(carry, x_t):
        h, c = carry
        h, c = _lstm_cell(x_t, h, c, Wx_e, Wh_e, b_e)
        return (h, c), h

    h0 = jnp.zeros((batch_size, HID), dtype=jnp.float32)
    c0 = jnp.zeros((batch_size, HID), dtype=jnp.float32)
    (hidden, cell), enc_outs = jax.lax.scan(enc_step, (h0, c0), jnp.swapaxes(src_e, 0, 1))
    encoder_outputs = jnp.swapaxes(enc_outs, 0, 1)  # [B, S, H]

    outputs = jnp.zeros((batch_size, trg_len, VOCAB), dtype=jnp.float32)
    inp_tok = trg[:, 0]
    samp_key = jax.random.key(42)
    for t in range(1, trg_len):
        emb_t = jnp.take(dec_emb, inp_tok, axis=0)  # [B, EMB]
        # dot-product attention over encoder outputs
        scores = jnp.einsum('bsh,bh->bs', encoder_outputs, hidden)
        attn = jax.nn.softmax(scores, axis=-1)
        context = jnp.einsum('bs,bsh->bh', attn, encoder_outputs)
        x_t = jnp.concatenate([emb_t, context], axis=-1)
        hidden, cell = _lstm_cell(x_t, hidden, cell, Wx_d, Wh_d, b_d)
        output = hidden @ W_out + b_out  # [B, VOCAB]
        outputs = outputs.at[:, t, :].set(output)
        # top-k=10 sampling, as in the torch module
        topk_vals, topk_inds = jax.lax.top_k(output, TOPK)
        # softmax over topk probs + multinomial == categorical over topk logits
        sampled = jax.random.categorical(jax.random.fold_in(samp_key, t), topk_vals, axis=-1)
        inp_tok = jnp.take_along_axis(topk_inds, sampled[:, None], axis=1).squeeze(1)
    return outputs

if __name__ == "__main__":
    import jax
    _d = setup_inputs()
    print(jax.jit(kernel)(*tuple(_d.values())))

</pallas_src>

<mosaic_0001>
module attributes {stable_mosaic.version = 14 : i64} {
  func.func @_enc_kernel(%arg0: memref<50x32x256xf32, #tpu.memory_space<vmem>>, %arg1: memref<256x2048xf32, #tpu.memory_space<vmem>>, %arg2: memref<512x2048xf32, #tpu.memory_space<vmem>>, %arg3: memref<1x2048xf32, #tpu.memory_space<vmem>>, %arg4: memref<50x32x512xf32, #tpu.memory_space<vmem>>, %arg5: memref<32x512xf32, #tpu.memory_space<vmem>>, %arg6: memref<32x512xf32, #tpu.memory_space<vmem>>) attributes {dimension_semantics = [], scalar_prefetch = 0 : i64, scratch_operands = 0 : i64, tpu.core_type = #tpu.core_type<tc>} {
    %get3A = arith.constant 0 : index
    %get3A_0 = arith.constant 0 : index
    %get3A_1 = vector.load %arg1[%get3A, %get3A_0] : memref<256x2048xf32, #tpu.memory_space<vmem>>, vector<256x2048xf32>
    %get3A_2 = arith.constant 0 : index
    %get3A_3 = arith.constant 0 : index
    %get3A_4 = vector.load %arg2[%get3A_2, %get3A_3] : memref<512x2048xf32, #tpu.memory_space<vmem>>, vector<512x2048xf32>
    %get3A_5 = arith.constant 0 : index
    %get3A_6 = arith.constant 0 : index
    %get3A_7 = vector.load %arg3[%get3A_5, %get3A_6] : memref<1x2048xf32, #tpu.memory_space<vmem>>, vector<1x2048xf32>
    %broadcast_in_dim3A = arith.constant 0.000000e+00 : f32
    %broadcast_in_dim3A_8 = vector.broadcast %broadcast_in_dim3A : f32 to vector<32x512xf32>
    %scan3A = arith.constant 0 : i32
    %scan3A_9 = arith.constant 50 : i32
    %scan3A_10 = arith.addi %scan3A, %scan3A_9 : i32
    %scan3A_11 = arith.constant 1 : i32
    %scan3A_12:2 = scf.for %scan3A_19 = %scan3A to %scan3A_10 step %scan3A_11 iter_args(%scan3A_20 = %broadcast_in_dim3A_8, %scan3A_21 = %broadcast_in_dim3A_8) -> (vector<32x512xf32>, vector<32x512xf32>)  : i32 {
      %get3A_22 = arith.index_cast %scan3A_19 : i32 to index
      %get3A_23 = arith.constant 0 : index
      %get3A_24 = arith.constant 0 : index
      %get3A_25 = vector.load %arg0[%get3A_22, %get3A_23, %get3A_24] : memref<50x32x256xf32, #tpu.memory_space<vmem>>, vector<1x32x256xf32>
      %get3A_26 = vector.shape_cast %get3A_25 : vector<1x32x256xf32> to vector<32x256xf32>
      %dot_general3A = arith.constant dense<0.000000e+00> : vector<32x2048xf32>
      %dot_general3A_27 = tpu.matmul %get3A_26, %get3A_1, %dot_general3A {dimension_numbers = #tpu.dot_dimension_numbers<[1], [0], [0], [1], [0, 0, 1, 1], [], []>, transpose_lhs_hint = false} : vector<32x256xf32>, vector<256x2048xf32>, vector<32x2048xf32> -> vector<32x2048xf32>
      %dot_general3A_28 = arith.constant dense<0.000000e+00> : vector<32x2048xf32>
      %dot_general3A_29 = tpu.matmul %scan3A_20, %get3A_4, %dot_general3A_28 {dimension_numbers = #tpu.dot_dimension_numbers<[1], [0], [0], [1], [0, 0, 1, 1], [], []>, transpose_lhs_hint = false} : vector<32x512xf32>, vector<512x2048xf32>, vector<32x2048xf32> -> vector<32x2048xf32>
      %add3A = arith.addf %dot_general3A_27, %dot_general3A_29 : vector<32x2048xf32>
      %add3A_30 = vector.broadcast %get3A_7 : vector<1x2048xf32> to vector<32x2048xf32>
      %add3A_31 = arith.addf %add3A, %add3A_30 : vector<32x2048xf32>
      %slice3A = vector.extract_strided_slice %add3A_31 {offsets = [0, 0], sizes = [32, 512], strides = [1, 1]} : vector<32x2048xf32> to vector<32x512xf32>
      %logistic3A = arith.negf %slice3A : vector<32x512xf32>
      %logistic3A_32 = math.exp %logistic3A : vector<32x512xf32>
      %logistic3A_33 = arith.constant 1.000000e+00 : f32
      %logistic3A_34 = vector.broadcast %logistic3A_33 : f32 to vector<32x512xf32>
      %logistic3A_35 = arith.addf %logistic3A_34, %logistic3A_32 : vector<32x512xf32>
      %logistic3A_36 = arith.divf %logistic3A_34, %logistic3A_35 : vector<32x512xf32>
      %slice3A_37 = vector.extract_strided_slice %add3A_31 {offsets = [0, 512], sizes = [32, 512], strides = [1, 1]} : vector<32x2048xf32> to vector<32x512xf32>
      %logistic3A_38 = arith.negf %slice3A_37 : vector<32x512xf32>
      %logistic3A_39 = math.exp %logistic3A_38 : vector<32x512xf32>
      %logistic3A_40 = arith.constant 1.000000e+00 : f32
      %logistic3A_41 = vector.broadcast %logistic3A_40 : f32 to vector<32x512xf32>
      %logistic3A_42 = arith.addf %logistic3A_41, %logistic3A_39 : vector<32x512xf32>
      %logistic3A_43 = arith.divf %logistic3A_41, %logistic3A_42 : vector<32x512xf32>
      %slice3A_44 = vector.extract_strided_slice %add3A_31 {offsets = [0, 1024], sizes = [32, 512], strides = [1, 1]} : vector<32x2048xf32> to vector<32x512xf32>
      %tanh3A = math.tanh %slice3A_44 : vector<32x512xf32>
      %slice3A_45 = vector.extract_strided_slice %add3A_31 {offsets = [0, 1536], sizes = [32, 512], strides = [1, 1]} : vector<32x2048xf32> to vector<32x512xf32>
      %logistic3A_46 = arith.negf %slice3A_45 : vector<32x512xf32>
      %logistic3A_47 = math.exp %logistic3A_46 : vector<32x512xf32>
      %logistic3A_48 = arith.constant 1.000000e+00 : f32
      %logistic3A_49 = vector.broadcast %logistic3A_48 : f32 to vector<32x512xf32>
      %logistic3A_50 = arith.addf %logistic3A_49, %logistic3A_47 : vector<32x512xf32>
      %logistic3A_51 = arith.divf %logistic3A_49, %logistic3A_50 : vector<32x512xf32>
      %mul3A = arith.mulf %logistic3A_43, %scan3A_21 : vector<32x512xf32>
      %mul3A_52 = arith.mulf %logistic3A_36, %tanh3A : vector<32x512xf32>
      %add3A_53 = arith.addf %mul3A, %mul3A_52 : vector<32x512xf32>
      %tanh3A_54 = math.tanh %add3A_53 : vector<32x512xf32>
      %mul3A_55 = arith.mulf %logistic3A_51, %tanh3A_54 : vector<32x512xf32>
      %swap3A_56 = arith.index_cast %scan3A_19 : i32 to index
      %swap3A_57 = arith.constant 0 : index
      %swap3A_58 = arith.constant 0 : index
      %swap3A_59 = vector.load %arg4[%swap3A_56, %swap3A_57, %swap3A_58] : memref<50x32x512xf32, #tpu.memory_space<vmem>>, vector<1x32x512xf32>
      %swap3A_60 = vector.shape_cast %swap3A_59 : vector<1x32x512xf32> to vector<32x512xf32>
      %swap3A_61 = vector.shape_cast %mul3A_55 : vector<32x512xf32> to vector<1x32x512xf32>
      tpu.vector_store %arg4[%swap3A_56, %swap3A_57, %swap3A_58], %swap3A_61 {strides = array<i32>} : memref<50x32x512xf32, #tpu.memory_space<vmem>>, vector<1x32x512xf32>,
      scf.yield %mul3A_55, %add3A_53 : vector<32x512xf32>, vector<32x512xf32>
    }
    %scan3A_13 = arith.constant 50 : i32
    %swap3A = arith.constant 0 : index
    %swap3A_14 = arith.constant 0 : index
    %swap3A_15 = vector.load %arg5[%swap3A, %swap3A_14] : memref<32x512xf32, #tpu.memory_space<vmem>>, vector<32x512xf32>
    tpu.vector_store %arg5[%swap3A, %swap3A_14], %scan3A_12#0 {strides = array<i32>} : memref<32x512xf32, #tpu.memory_space<vmem>>, vector<32x512xf32>,
    %swap3A_16 = arith.constant 0 : index
    %swap3A_17 = arith.constant 0 : index
    %swap3A_18 = vector.load %arg6[%swap3A_16, %swap3A_17] : memref<32x512xf32, #tpu.memory_space<vmem>>, vector<32x512xf32>
    tpu.vector_store %arg6[%swap3A_16, %swap3A_17], %scan3A_12#1 {strides = array<i32>} : memref<32x512xf32, #tpu.memory_space<vmem>>, vector<32x512xf32>,
    return
  }
}

module attributes {stable_mosaic.version = 14 : i64} {
  func.func @_proj_topk_kernel(%arg0: i32, %arg1: memref<32x512xf32, #tpu.memory_space<vmem>>, %arg2: memref<512x4096xf32, #tpu.memory_space<vmem>>, %arg3: memref<1x4096xf32, #tpu.memory_space<vmem>>, %arg4: memref<32x4096xf32, #tpu.memory_space<vmem>>, %arg5: memref<32x16xf32, #tpu.memory_space<vmem>>, %arg6: memref<32x16xi32, #tpu.memory_space<vmem>>, %arg7: memref<32x16xf32, #tpu.memory_space<vmem>>, %arg8: memref<32x16xi32, #tpu.memory_space<vmem>>) attributes {dimension_semantics = [#tpu.dimension_semantics<arbitrary>], iteration_bounds = array<i64: 25>, scalar_prefetch = 0 : i64, scratch_operands = 2 : i64, tpu.core_type = #tpu.core_type<tc>, window_params = [{pipeline_mode = #tpu.pipeline_mode<synchronous>, transform_indices = @transform_0, window_bounds = array<i64: 32, 512>}, {transform_indices = @transform_1, window_bounds = array<i64: 512, 4096>}, {transform_indices = @transform_2, window_bounds = array<i64: 1, 4096>}, {transform_indices = @transform_3, window_bounds = array<i64: 32, 4096>}, {pipeline_mode = #tpu.pipeline_mode<synchronous>, transform_indices = @transform_4, window_bounds = array<i64: 32, 16>}, {pipeline_mode = #tpu.pipeline_mode<synchronous>, transform_indices = @transform_5, window_bounds = array<i64: 32, 16>}]} {
    %eq3A = arith.constant 0 : i32
    %eq3A_0 = arith.cmpi eq, %arg0, %eq3A : i32
    %convert_element_type3A = arith.extui %eq3A_0 : i1 to i32
    %cond3A = arith.constant 0 : i32
    %cond3A_1 = arith.cmpi ne, %convert_element_type3A, %cond3A : i32
    scf.if %cond3A_1 {
      %broadcast_in_dim3A_504 = arith.constant -1.000000e+30 : f32
      %broadcast_in_dim3A_505 = vector.broadcast %broadcast_in_dim3A_504 : f32 to vector<32x16xf32>
      %swap3A_506 = arith.constant 0 : index
      %swap3A_507 = arith.constant 0 : index
      %swap3A_508 = vector.load %arg7[%swap3A_506, %swap3A_507] : memref<32x16xf32, #tpu.memory_space<vmem>>, vector<32x16xf32>
      tpu.vector_store %arg7[%swap3A_506, %swap3A_507], %broadcast_in_dim3A_505 {strides = array<i32>} : memref<32x16xf32, #tpu.memory_space<vmem>>, vector<32x16xf32>,
      %broadcast_in_dim3A_509 = arith.constant 2147483647 : i32
      %broadcast_in_dim3A_510 = vector.broadcast %broadcast_in_dim3A_509 : i32 to vector<32x16xi32>
      %swap3A_511 = arith.constant 0 : index
      %swap3A_512 = arith.constant 0 : index
      %swap3A_513 = vector.load %arg8[%swap3A_511, %swap3A_512] : memref<32x16xi32, #tpu.memory_space<vmem>>, vector<32x16xi32>
      tpu.vector_store %arg8[%swap3A_511, %swap3A_512], %broadcast_in_dim3A_510 {strides = array<i32>} : memref<32x16xi32, #tpu.memory_space<vmem>>, vector<32x16xi32>,
    } else {
    }
    %get3A = arith.constant 0 : index
    %get3A_2 = arith.constant 0 : index
    %get3A_3 = vector.load %arg1[%get3A, %get3A_2] : memref<32x512xf32, #tpu.memory_space<vmem>>, vector<32x512xf32>
    %get3A_4 = arith.constant 0 : index
    %get3A_5 = arith.constant 0 : index
    %get3A_6 = vector.load %arg2[%get3A_4, %get3A_5] : memref<512x4096xf32, #tpu.memory_space<vmem>>, vector<512x4096xf32>
    %dot_general3A = arith.constant dense<0.000000e+00> : vector<32x4096xf32>
    %dot_general3A_7 = tpu.matmul %get3A_3, %get3A_6, %dot_general3A {dimension_numbers = #tpu.dot_dimension_numbers<[1], [0], [0], [1], [0, 0, 1, 1], [], []>, transpose_lhs_hint = false} : vector<32x512xf32>, vector<512x4096xf32>, vector<32x4096xf32> -> vector<32x4096xf32>
    %get3A_8 = arith.constant 0 : index
    %get3A_9 = arith.constant 0 : index
    %get3A_10 = vector.load %arg3[%get3A_8, %get3A_9] : memref<1x4096xf32, #tpu.memory_space<vmem>>, vector<1x4096xf32>
    %add3A = vector.broadcast %get3A_10 : vector<1x4096xf32> to vector<32x4096xf32>
    %add3A_11 = arith.addf %dot_general3A_7, %add3A : vector<32x4096xf32>
    %swap3A = arith.constant 0 : index
    %swap3A_12 = arith.constant 0 : index
    %swap3A_13 = vector.load %arg4[%swap3A, %swap3A_12] : memref<32x4096xf32, #tpu.memory_space<vmem>>, vector<32x4096xf32>
    tpu.vector_store %arg4[%swap3A, %swap3A_12], %add3A_11 {strides = array<i32>} : memref<32x4096xf32, #tpu.memory_space<vmem>>, vector<32x4096xf32>,
    %mul3A = arith.constant 4096 : i32
    %mul3A_14 = arith.muli %arg0, %mul3A : i32
    %iota3A = tpu.iota {dimensions = array<i32: 1>} : vector<32x4096xi32>
    %add3A_15 = vector.broadcast %mul3A_14 : i32 to vector<32x4096xi32>
    %add3A_16 = arith.addi %add3A_15, %iota3A : vector<32x4096xi32>
    %lt3A = arith.constant 100000 : i32
    %lt3A_17 = vector.broadcast %lt3A : i32 to vector<32x4096xi32>
    %lt3A_18 = arith.cmpi slt, %add3A_16, %lt3A_17 : vector<32x4096xi32>
    %jit3A = arith.constant -1.000000e+30 : f32
    %broadcast_in_dim3A = vector.broadcast %jit3A : f32 to vector<32x4096xf32>
    %select_n3A = arith.select %lt3A_18, %add3A_11, %broadcast_in_dim3A : vector<32x4096xi1>, vector<32x4096xf32>
    %get3A_19 = arith.constant 0 : index
    %get3A_20 = arith.constant 0 : index
    %get3A_21 = vector.load %arg7[%get3A_19, %get3A_20] : memref<32x16xf32, #tpu.memory_space<vmem>>, vector<32x16xf32>
    %get3A_22 = arith.constant 0 : index
    %get3A_23 = arith.constant 0 : index
    %get3A_24 = vector.load %arg8[%get3A_22, %get3A_23] : memref<32x16xi32, #tpu.memory_space<vmem>>, vector<32x16xi32>
    %iota3A_25 = tpu.iota {dimensions = array<i32: 1>} : vector<32x16xi32>
    %broadcast_in_dim3A_26 = arith.constant -1.000000e+30 : f32
    %broadcast_in_dim3A_27 = vector.broadcast %broadcast_in_dim3A_26 : f32 to vector<32x16xf32>
    %broadcast_in_dim3A_28 = arith.constant 2147483647 : i32
    %broadcast_in_dim3A_29 = vector.broadcast %broadcast_in_dim3A_28 : i32 to vector<32x16xi32>
    %reduce_max3A = arith.constant dense<0xFF800000> : vector<32xf32>
    %reduce_max3A_30 = vector.multi_reduction <maximumf>, %select_n3A, %reduce_max3A [1] : vector<32x4096xf32> to vector<32xf32>
    %broadcast_in_dim3A_31 = vector.shape_cast %reduce_max3A_30 : vector<32xf32> to vector<32x1xf32>
    %reduce_max3A_32 = arith.constant dense<0xFF800000> : vector<32xf32>
    %reduce_max3A_33 = vector.multi_reduction <maximumf>, %get3A_21, %reduce_max3A_32 [1] : vector<32x16xf32> to vector<32xf32>
    %broadcast_in_dim3A_34 = vector.shape_cast %reduce_max3A_33 : vector<32xf32> to vector<32x1xf32>
    %max3A = arith.maximumf %broadcast_in_dim3A_31, %broadcast_in_dim3A_34 : vector<32x1xf32>
    %eq3A_35 = vector.broadcast %max3A : vector<32x1xf32> to vector<32x4096xf32>
    %eq3A_36 = arith.cmpf oeq, %select_n3A, %eq3A_35 : vector<32x4096xf32>
    %eq3A_37 = vector.broadcast %max3A : vector<32x1xf32> to vector<32x16xf32>
    %eq3A_38 = arith.cmpf oeq, %get3A_21, %eq3A_37 : vector<32x16xf32>
    %jit3A_39 = arith.constant 2147483647 : i32
    %broadcast_in_dim3A_40 = vector.broadcast %jit3A_39 : i32 to vector<32x4096xi32>
    %select_n3A_41 = arith.select %eq3A_36, %add3A_16, %broadcast_in_dim3A_40 : vector<32x4096xi1>, vector<32x4096xi32>
    %reduce_min3A = arith.constant dense<2147483647> : vector<32xi32>
    %reduce_min3A_42 = vector.multi_reduction <minsi>, %select_n3A_41, %reduce_min3A [1] : vector<32x4096xi32> to vector<32xi32>
    %broadcast_in_dim3A_43 = vector.shape_cast %reduce_min3A_42 : vector<32xi32> to vector<32x1xi32>
    %jit3A_44 = arith.constant 2147483647 : i32
    %broadcast_in_dim3A_45 = vector.broadcast %jit3A_44 : i32 to vector<32x16xi32>
    %select_n3A_46 = arith.select %eq3A_38, %get3A_24, %broadcast_in_dim3A_45 : vector<32x16xi1>, vector<32x16xi32>
    %reduce_min3A_47 = arith.constant dense<2147483647> : vector<32xi32>
    %reduce_min3A_48 = vector.multi_reduction <minsi>, %select_n3A_46, %reduce_min3A_47 [1] : vector<32x16xi32> to vector<32xi32>
    %broadcast_in_dim3A_49 = vector.shape_cast %reduce_min3A_48 : vector<32xi32> to vector<32x1xi32>
    %min3A = arith.minsi %broadcast_in_dim3A_43, %broadcast_in_dim3A_49 : vector<32x1xi32>
    %eq3A_50 = arith.constant 0 : i32
    %eq3A_51 = vector.broadcast %eq3A_50 : i32 to vector<32x16xi32>
    %eq3A_52 = arith.cmpi eq, %iota3A_25, %eq3A_51 : vector<32x16xi32>
    %broadcast_in_dim3A_53 = vector.shape_cast %max3A : vector<32x1xf32> to vector<32x1xf32>
    %broadcast_in_dim3A_54 = vector.broadcast %broadcast_in_dim3A_53 : vector<32x1xf32> to vector<32x16xf32>
    %select_n3A_55 = arith.select %eq3A_52, %broadcast_in_dim3A_54, %broadcast_in_dim3A_27 : vector<32x16xi1>, vector<32x16xf32>
    %eq3A_56 = arith.constant 0 : i32
    %eq3A_57 = vector.broadcast %eq3A_56 : i32 to vector<32x16xi32>
    %eq3A_58 = arith.cmpi eq, %iota3A_25, %eq3A_57 : vector<32x16xi32>
    %broadcast_in_dim3A_59 = vector.shape_cast %min3A : vector<32x1xi32> to vector<32x1xi32>
    %broadcast_in_dim3A_60 = vector.broadcast %broadcast_in_dim3A_59 : vector<32x1xi32> to vector<32x16xi32>
    %select_n3A_61 = arith.select %eq3A_58, %broadcast_in_dim3A_60, %broadcast_in_dim3A_29 : vector<32x16xi1>, vector<32x16xi32>
    %eq3A_62 = vector.broadcast %min3A : vector<32x1xi32> to vector<32x4096xi32>
    %eq3A_63 = arith.cmpi eq, %add3A_16, %eq3A_62 : vector<32x4096xi32>
    %and3A = arith.andi %eq3A_36, %eq3A_63 : vector<32x4096xi1>
    %jit3A_64 = arith.constant -1.000000e+30 : f32
    %broadcast_in_dim3A_65 = vector.broadcast %jit3A_64 : f32 to vector<32x4096xf32>
    %select_n3A_66 = arith.select %and3A, %broadcast_in_dim3A_65, %select_n3A : vector<32x4096xi1>, vector<32x4096xf32>
    %eq3A_67 = vector.broadcast %min3A : vector<32x1xi32> to vector<32x16xi32>
    %eq3A_68 = arith.cmpi eq, %get3A_24, %eq3A_67 : vector<32x16xi32>
    %and3A_69 = arith.andi %eq3A_38, %eq3A_68 : vector<32x16xi1>
    %jit3A_70 = arith.constant -1.000000e+30 : f32
    %broadcast_in_dim3A_71 = vector.broadcast %jit3A_70 : f32 to vector<32x16xf32>
    %select_n3A_72 = arith.select %and3A_69, %broadcast_in_dim3A_71, %get3A_21 : vector<32x16xi1>, vector<32x16xf32>
    %reduce_max3A_73 = arith.constant dense<0xFF800000> : vector<32xf32>
    %reduce_max3A_74 = vector.multi_reduction <maximumf>, %select_n3A_66, %reduce_max3A_73 [1] : vector<32x4096xf32> to vector<32xf32>
    %broadcast_in_dim3A_75 = vector.shape_cast %reduce_max3A_74 : vector<32xf32> to vector<32x1xf32>
    %reduce_max3A_76 = arith.constant dense<0xFF800000> : vector<32xf32>
    %reduce_max3A_77 = vector.multi_reduction <maximumf>, %select_n3A_72, %reduce_max3A_76 [1] : vector<32x16xf32> to vector<32xf32>
    %broadcast_in_dim3A_78 = vector.shape_cast %reduce_max3A_77 : vector<32xf32> to vector<32x1xf32>
    %max3A_79 = arith.maximumf %broadcast_in_dim3A_75, %broadcast_in_dim3A_78 : vector<32x1xf32>
    %eq3A_80 = vector.broadcast %max3A_79 : vector<32x1xf32> to vector<32x4096xf32>
    %eq3A_81 = arith.cmpf oeq, %select_n3A_66, %eq3A_80 : vector<32x4096xf32>
    %eq3A_82 = vector.broadcast %max3A_79 : vector<32x1xf32> to vector<32x16xf32>
    %eq3A_83 = arith.cmpf oeq, %select_n3A_72, %eq3A_82 : vector<32x16xf32>
    %jit3A_84 = arith.constant 2147483647 : i32
    %broadcast_in_dim3A_85 = vector.broadcast %jit3A_84 : i32 to vector<32x4096xi32>
    %select_n3A_86 = arith.select %eq3A_81, %add3A_16, %broadcast_in_dim3A_85 : vector<32x4096xi1>, vector<32x4096xi32>
    %reduce_min3A_87 = arith.constant dense<2147483647> : vector<32xi32>
    %reduce_min3A_88 = vector.multi_reduction <minsi>, %select_n3A_86, %reduce_min3A_87 [1] : vector<32x4096xi32> to vector<32xi32>
    %broadcast_in_dim3A_89 = vector.shape_cast %reduce_min3A_88 : vector<32xi32> to vector<32x1xi32>
    %jit3A_90 = arith.constant 2147483647 : i32
    %broadcast_in_dim3A_91 = vector.broadcast %jit3A_90 : i32 to vector<32x16xi32>
    %select_n3A_92 = arith.select %eq3A_83, %get3A_24, %broadcast_in_dim3A_91 : vector<32x16xi1>, vector<32x16xi32>
    %reduce_min3A_93 = arith.constant dense<2147483647> : vector<32xi32>
    %reduce_min3A_94 = vector.multi_reduction <minsi>, %select_n3A_92, %reduce_min3A_93 [1] : vector<32x16xi32> to vector<32xi32>
    %broadcast_in_dim3A_95 = vector.shape_cast %reduce_min3A_94 : vector<32xi32> to vector<32x1xi32>
    %min3A_96 = arith.minsi %broadcast_in_dim3A_89, %broadcast_in_dim3A_95 : vector<32x1xi32>
    %eq3A_97 = arith.constant 1 : i32
    %eq3A_98 = vector.broadcast %eq3A_97 : i32 to vector<32x16xi32>
    %eq3A_99 = arith.cmpi eq, %iota3A_25, %eq3A_98 : vector<32x16xi32>
    %broadcast_in_dim3A_100 = vector.shape_cast %max3A_79 : vector<32x1xf32> to vector<32x1xf32>
    %broadcast_in_dim3A_101 = vector.broadcast %broadcast_in_dim3A_100 : vector<32x1xf32> to vector<32x16xf32>
    %select_n3A_102 = arith.select %eq3A_99, %broadcast_in_dim3A_101, %select_n3A_55 : vector<32x16xi1>, vector<32x16xf32>
    %eq3A_103 = arith.constant 1 : i32
    %eq3A_104 = vector.broadcast %eq3A_103 : i32 to vector<32x16xi32>
    %eq3A_105 = arith.cmpi eq, %iota3A_25, %eq3A_104 : vector<32x16xi32>
    %broadcast_in_dim3A_106 = vector.shape_cast %min3A_96 : vector<32x1xi32> to vector<32x1xi32>
    %broadcast_in_dim3A_107 = vector.broadcast %broadcast_in_dim3A_106 : vector<32x1xi32> to vector<32x16xi32>
    %select_n3A_108 = arith.select %eq3A_105, %broadcast_in_dim3A_107, %select_n3A_61 : vector<32x16xi1>, vector<32x16xi32>
    %eq3A_109 = vector.broadcast %min3A_96 : vector<32x1xi32> to vector<32x4096xi32>
    %eq3A_110 = arith.cmpi eq, %add3A_16, %eq3A_109 : vector<32x4096xi32>
    %and3A_111 = arith.andi %eq3A_81, %eq3A_110 : vector<32x4096xi1>
    %jit3A_112 = arith.constant -1.000000e+30 : f32
    %broadcast_in_dim3A_113 = vector.broadcast %jit3A_112 : f32 to vector<32x4096xf32>
    %select_n3A_114 = arith.select %and3A_111, %broadcast_in_dim3A_113, %select_n3A_66 : vector<32x4096xi1>, vector<32x4096xf32>
    %eq3A_115 = vector.broadcast %min3A_96 : vector<32x1xi32> to vector<32x16xi32>
    %eq3A_116 = arith.cmpi eq, %get3A_24, %eq3A_115 : vector<32x16xi32>
    %and3A_117 = arith.andi %eq3A_83, %eq3A_116 : vector<32x16xi1>
    %jit3A_118 = arith.constant -1.000000e+30 : f32
    %broadcast_in_dim3A_119 = vector.broadcast %jit3A_118 : f32 to vector<32x16xf32>
    %select_n3A_120 = arith.select %and3A_117, %broadcast_in_dim3A_119, %select_n3A_72 : vector<32x16xi1>, vector<32x16xf32>
    %reduce_max3A_121 = arith.constant dense<0xFF800000> : vector<32xf32>
    %reduce_max3A_122 = vector.multi_reduction <maximumf>, %select_n3A_114, %reduce_max3A_121 [1] : vector<32x4096xf32> to vector<32xf32>
    %broadcast_in_dim3A_123 = vector.shape_cast %reduce_max3A_122 : vector<32xf32> to vector<32x1xf32>
    %reduce_max3A_124 = arith.constant dense<0xFF800000> : vector<32xf32>
    %reduce_max3A_125 = vector.multi_reduction <maximumf>, %select_n3A_120, %reduce_max3A_124 [1] : vector<32x16xf32> to vector<32xf32>
    %broadcast_in_dim3A_126 = vector.shape_cast %reduce_max3A_125 : vector<32xf32> to vector<32x1xf32>
    %max3A_127 = arith.maximumf %broadcast_in_dim3A_123, %broadcast_in_dim3A_126 : vector<32x1xf32>
    %eq3A_128 = vector.broadcast %max3A_127 : vector<32x1xf32> to vector<32x4096xf32>
    %eq3A_129 = arith.cmpf oeq, %select_n3A_114, %eq3A_128 : vector<32x4096xf32>
    %eq3A_130 = vector.broadcast %max3A_127 : vector<32x1xf32> to vector<32x16xf32>
    %eq3A_131 = arith.cmpf oeq, %select_n3A_120, %eq3A_130 : vector<32x16xf32>
    %jit3A_132 = arith.constant 2147483647 : i32
    %broadcast_in_dim3A_133 = vector.broadcast %jit3A_132 : i32 to vector<32x4096xi32>
    %select_n3A_134 = arith.select %eq3A_129, %add3A_16, %broadcast_in_dim3A_133 : vector<32x4096xi1>, vector<32x4096xi32>
    %reduce_min3A_135 = arith.constant dense<2147483647> : vector<32xi32>
    %reduce_min3A_136 = vector.multi_reduction <minsi>, %select_n3A_134, %reduce_min3A_135 [1] : vector<32x4096xi32> to vector<32xi32>
    %broadcast_in_dim3A_137 = vector.shape_cast %reduce_min3A_136 : vector<32xi32> to vector<32x1xi32>
    %jit3A_138 = arith.constant 2147483647 : i32
    %broadcast_in_dim3A_139 = vector.broadcast %jit3A_138 : i32 to vector<32x16xi32>
    %select_n3A_140 = arith.select %eq3A_131, %get3A_24, %broadcast_in_dim3A_139 : vector<32x16xi1>, vector<32x16xi32>
    %reduce_min3A_141 = arith.constant dense<2147483647> : vector<32xi32>
    %reduce_min3A_142 = vector.multi_reduction <minsi>, %select_n3A_140, %reduce_min3A_141 [1] : vector<32x16xi32> to vector<32xi32>
    %broadcast_in_dim3A_143 = vector.shape_cast %reduce_min3A_142 : vector<32xi32> to vector<32x1xi32>
    %min3A_144 = arith.minsi %broadcast_in_dim3A_137, %broadcast_in_dim3A_143 : vector<32x1xi32>
    %eq3A_145 = arith.constant 2 : i32
    %eq3A_146 = vector.broadcast %eq3A_145 : i32 to vector<32x16xi32>
    %eq3A_147 = arith.cmpi eq, %iota3A_25, %eq3A_146 : vector<32x16xi32>
    %broadcast_in_dim3A_148 = vector.shape_cast %max3A_127 : vector<32x1xf32> to vector<32x1xf32>
    %broadcast_in_dim3A_149 = vector.broadcast %broadcast_in_dim3A_148 : vector<32x1xf32> to vector<32x16xf32>
    %select_n3A_150 = arith.select %eq3A_147, %broadcast_in_dim3A_149, %select_n3A_102 : vector<32x16xi1>, vector<32x16xf32>
    %eq3A_151 = arith.constant 2 : i32
    %eq3A_152 = vector.broadcast %eq3A_151 : i32 to vector<32x16xi32>
    %eq3A_153 = arith.cmpi eq, %iota3A_25, %eq3A_152 : vector<32x16xi32>
    %broadcast_in_dim3A_154 = vector.shape_cast %min3A_144 : vector<32x1xi32> to vector<32x1xi32>
    %broadcast_in_dim3A_155 = vector.broadcast %broadcast_in_dim3A_154 : vector<32x1xi32> to vector<32x16xi32>
    %select_n3A_156 = arith.select %eq3A_153, %broadcast_in_dim3A_155, %select_n3A_108 : vector<32x16xi1>, vector<32x16xi32>
    %eq3A_157 = vector.broadcast %min3A_144 : vector<32x1xi32> to vector<32x4096xi32>
    %eq3A_158 = arith.cmpi eq, %add3A_16, %eq3A_157 : vector<32x4096xi32>
    %and3A_159 = arith.andi %eq3A_129, %eq3A_158 : vector<32x4096xi1>
    %jit3A_160 = arith.constant -1.000000e+30 : f32
    %broadcast_in_dim3A_161 = vector.broadcast %jit3A_160 : f32 to vector<32x4096xf32>
    %select_n3A_162 = arith.select %and3A_159, %broadcast_in_dim3A_161, %select_n3A_114 : vector<32x4096xi1>, vector<32x4096xf32>
    %eq3A_163 = vector.broadcast %min3A_144 : vector<32x1xi32> to vector<32x16xi32>
    %eq3A_164 = arith.cmpi eq, %get3A_24, %eq3A_163 : vector<32x16xi32>
    %and3A_165 = arith.andi %eq3A_131, %eq3A_164 : vector<32x16xi1>
    %jit3A_166 = arith.constant -1.000000e+30 : f32
    %broadcast_in_dim3A_167 = vector.broadcast %jit3A_166 : f32 to vector<32x16xf32>
    %select_n3A_168 = arith.select %and3A_165, %broadcast_in_dim3A_167, %select_n3A_120 : vector<32x16xi1>, vector<32x16xf32>
    %reduce_max3A_169 = arith.constant dense<0xFF800000> : vector<32xf32>
    %reduce_max3A_170 = vector.multi_reduction <maximumf>, %select_n3A_162, %reduce_max3A_169 [1] : vector<32x4096xf32> to vector<32xf32>
    %broadcast_in_dim3A_171 = vector.shape_cast %reduce_max3A_170 : vector<32xf32> to vector<32x1xf32>
    %reduce_max3A_172 = arith.constant dense<0xFF800000> : vector<32xf32>
    %reduce_max3A_173 = vector.multi_reduction <maximumf>, %select_n3A_168, %reduce_max3A_172 [1] : vector<32x16xf32> to vector<32xf32>
    %broadcast_in_dim3A_174 = vector.shape_cast %reduce_max3A_173 : vector<32xf32> to vector<32x1xf32>
    %max3A_175 = arith.maximumf %broadcast_in_dim3A_171, %broadcast_in_dim3A_174 : vector<32x1xf32>
    %eq3A_176 = vector.broadcast %max3A_175 : vector<32x1xf32> to vector<32x4096xf32>
    %eq3A_177 = arith.cmpf oeq, %select_n3A_162, %eq3A_176 : vector<32x4096xf32>
    %eq3A_178 = vector.broadcast %max3A_175 : vector<32x1xf32> to vector<32x16xf32>
    %eq3A_179 = arith.cmpf oeq, %select_n3A_168, %eq3A_178 : vector<32x16xf32>
    %jit3A_180 = arith.constant 2147483647 : i32
    %broadcast_in_dim3A_181 = vector.broadcast %jit3A_180 : i32 to vector<32x4096xi32>
    %select_n3A_182 = arith.select %eq3A_177, %add3A_16, %broadcast_in_dim3A_181 : vector<32x4096xi1>, vector<32x4096xi32>
    %reduce_min3A_183 = arith.constant dense<2147483647> : vector<32xi32>
    %reduce_min3A_184 = vector.multi_reduction <minsi>, %select_n3A_182, %reduce_min3A_183 [1] : vector<32x4096xi32> to vector<32xi32>
    %broadcast_in_dim3A_185 = vector.shape_cast %reduce_min3A_184 : vector<32xi32> to vector<32x1xi32>
    %jit3A_186 = arith.constant 2147483647 : i32
    %broadcast_in_dim3A_187 = vector.broadcast %jit3A_186 : i32 to vector<32x16xi32>
    %select_n3A_188 = arith.select %eq3A_179, %get3A_24, %broadcast_in_dim3A_187 : vector<32x16xi1>, vector<32x16xi32>
    %reduce_min3A_189 = arith.constant dense<2147483647> : vector<32xi32>
    %reduce_min3A_190 = vector.multi_reduction <minsi>, %select_n3A_188, %reduce_min3A_189 [1] : vector<32x16xi32> to vector<32xi32>
    %broadcast_in_dim3A_191 = vector.shape_cast %reduce_min3A_190 : vector<32xi32> to vector<32x1xi32>
    %min3A_192 = arith.minsi %broadcast_in_dim3A_185, %broadcast_in_dim3A_191 : vector<32x1xi32>
    %eq3A_193 = arith.constant 3 : i32
    %eq3A_194 = vector.broadcast %eq3A_193 : i32 to vector<32x16xi32>
    %eq3A_195 = arith.cmpi eq, %iota3A_25, %eq3A_194 : vector<32x16xi32>
    %broadcast_in_dim3A_196 = vector.shape_cast %max3A_175 : vector<32x1xf32> to vector<32x1xf32>
    %broadcast_in_dim3A_197 = vector.broadcast %broadcast_in_dim3A_196 : vector<32x1xf32> to vector<32x16xf32>
    %select_n3A_198 = arith.select %eq3A_195, %broadcast_in_dim3A_197, %select_n3A_150 : vector<32x16xi1>, vector<32x16xf32>
    %eq3A_199 = arith.constant 3 : i32
    %eq3A_200 = vector.broadcast %eq3A_199 : i32 to vector<32x16xi32>
    %eq3A_201 = arith.cmpi eq, %iota3A_25, %eq3A_200 : vector<32x16xi32>
    %broadcast_in_dim3A_202 = vector.shape_cast %min3A_192 : vector<32x1xi32> to vector<32x1xi32>
    %broadcast_in_dim3A_203 = vector.broadcast %broadcast_in_dim3A_202 : vector<32x1xi32> to vector<32x16xi32>
    %select_n3A_204 = arith.select %eq3A_201, %broadcast_in_dim3A_203, %select_n3A_156 : vector<32x16xi1>, vector<32x16xi32>
    %eq3A_205 = vector.broadcast %min3A_192 : vector<32x1xi32> to vector<32x4096xi32>
    %eq3A_206 = arith.cmpi eq, %add3A_16, %eq3A_205 : vector<32x4096xi32>
    %and3A_207 = arith.andi %eq3A_177, %eq3A_206 : vector<32x4096xi1>
    %jit3A_208 = arith.constant -1.000000e+30 : f32
    %broadcast_in_dim3A_209 = vector.broadcast %jit3A_208 : f32 to vector<32x4096xf32>
    %select_n3A_210 = arith.select %and3A_207, %broadcast_in_dim3A_209, %select_n3A_162 : vector<32x4096xi1>, vector<32x4096xf32>
    %eq3A_211 = vector.broadcast %min3A_192 : vector<32x1xi32> to vector<32x16xi32>
    %eq3A_212 = arith.cmpi eq, %get3A_24, %eq3A_211 : vector<32x16xi32>
    %and3A_213 = arith.andi %eq3A_179, %eq3A_212 : vector<32x16xi1>
    %jit3A_214 = arith.constant -1.000000e+30 : f32
    %broadcast_in_dim3A_215 = vector.broadcast %jit3A_214 : f32 to vector<32x16xf32>
    %select_n3A_216 = arith.select %and3A_213, %broadcast_in_dim3A_215, %select_n3A_168 : vector<32x16xi1>, vector<32x16xf32>
    %reduce_max3A_217 = arith.constant dense<0xFF800000> : vector<32xf32>
    %reduce_max3A_218 = vector.multi_reduction <maximumf>, %select_n3A_210, %reduce_max3A_217 [1] : vector<32x4096xf32> to vector<32xf32>
    %broadcast_in_dim3A_219 = vector.shape_cast %reduce_max3A_218 : vector<32xf32> to vector<32x1xf32>
    %reduce_max3A_220 = arith.constant dense<0xFF800000> : vector<32xf32>
    %reduce_max3A_221 = vector.multi_reduction <maximumf>, %select_n3A_216, %reduce_max3A_220 [1] : vector<32x16xf32> to vector<32xf32>
    %broadcast_in_dim3A_222 = vector.shape_cast %reduce_max3A_221 : vector<32xf32> to vector<32x1xf32>
    %max3A_223 = arith.maximumf %broadcast_in_dim3A_219, %broadcast_in_dim3A_222 : vector<32x1xf32>
    %eq3A_224 = vector.broadcast %max3A_223 : vector<32x1xf32> to vector<32x4096xf32>
    %eq3A_225 = arith.cmpf oeq, %select_n3A_210, %eq3A_224 : vector<32x4096xf32>
    %eq3A_226 = vector.broadcast %max3A_223 : vector<32x1xf32> to vector<32x16xf32>
    %eq3A_227 = arith.cmpf oeq, %select_n3A_216, %eq3A_226 : vector<32x16xf32>
    %jit3A_228 = arith.constant 2147483647 : i32
    %broadcast_in_dim3A_229 = vector.broadcast %jit3A_228 : i32 to vector<32x4096xi32>
    %select_n3A_230 = arith.select %eq3A_225, %add3A_16, %broadcast_in_dim3A_229 : vector<32x4096xi1>, vector<32x4096xi32>
    %reduce_min3A_231 = arith.constant dense<2147483647> : vector<32xi32>
    %reduce_min3A_232 = vector.multi_reduction <minsi>, %select_n3A_230, %reduce_min3A_231 [1] : vector<32x4096xi32> to vector<32xi32>
    %broadcast_in_dim3A_233 = vector.shape_cast %reduce_min3A_232 : vector<32xi32> to vector<32x1xi32>
    %jit3A_234 = arith.constant 2147483647 : i32
    %broadcast_in_dim3A_235 = vector.broadcast %jit3A_234 : i32 to vector<32x16xi32>
    %select_n3A_236 = arith.select %eq3A_227, %get3A_24, %broadcast_in_dim3A_235 : vector<32x16xi1>, vector<32x16xi32>
    %reduce_min3A_237 = arith.constant dense<2147483647> : vector<32xi32>
    %reduce_min3A_238 = vector.multi_reduction <minsi>, %select_n3A_236, %reduce_min3A_237 [1] : vector<32x16xi32> to vector<32xi32>
    %broadcast_in_dim3A_239 = vector.shape_cast %reduce_min3A_238 : vector<32xi32> to vector<32x1xi32>
    %min3A_240 = arith.minsi %broadcast_in_dim3A_233, %broadcast_in_dim3A_239 : vector<32x1xi32>
    %eq3A_241 = arith.constant 4 : i32
    %eq3A_242 = vector.broadcast %eq3A_241 : i32 to vector<32x16xi32>
    %eq3A_243 = arith.cmpi eq, %iota3A_25, %eq3A_242 : vector<32x16xi32>
    %broadcast_in_dim3A_244 = vector.shape_cast %max3A_223 : vector<32x1xf32> to vector<32x1xf32>
    %broadcast_in_dim3A_245 = vector.broadcast %broadcast_in_dim3A_244 : vector<32x1xf32> to vector<32x16xf32>
    %select_n3A_246 = arith.select %eq3A_243, %broadcast_in_dim3A_245, %select_n3A_198 : vector<32x16xi1>, vector<32x16xf32>
    %eq3A_247 = arith.constant 4 : i32
    %eq3A_248 = vector.broadcast %eq3A_247 : i32 to vector<32x16xi32>
    %eq3A_249 = arith.cmpi eq, %iota3A_25, %eq3A_248 : vector<32x16xi32>
    %broadcast_in_dim3A_250 = vector.shape_cast %min3A_240 : vector<32x1xi32> to vector<32x1xi32>
    %broadcast_in_dim3A_251 = vector.broadcast %broadcast_in_dim3A_250 : vector<32x1xi32> to vector<32x16xi32>
    %select_n3A_252 = arith.select %eq3A_249, %broadcast_in_dim3A_251, %select_n3A_204 : vector<32x16xi1>, vector<32x16xi32>
    %eq3A_253 = vector.broadcast %min3A_240 : vector<32x1xi32> to vector<32x4096xi32>
    %eq3A_254 = arith.cmpi eq, %add3A_16, %eq3A_253 : vector<32x4096xi32>
    %and3A_255 = arith.andi %eq3A_225, %eq3A_254 : vector<32x4096xi1>
    %jit3A_256 = arith.constant -1.000000e+30 : f32
    %broadcast_in_dim3A_257 = vector.broadcast %jit3A_256 : f32 to vector<32x4096xf32>
    %select_n3A_258 = arith.select %and3A_255, %broadcast_in_dim3A_257, %select_n3A_210 : vector<32x4096xi1>, vector<32x4096xf32>
    %eq3A_259 = vector.broadcast %min3A_240 : vector<32x1xi32> to vector<32x16xi32>
    %eq3A_260 = arith.cmpi eq, %get3A_24, %eq3A_259 : vector<32x16xi32>
    %and3A_261 = arith.andi %eq3A_227, %eq3A_260 : vector<32x16xi1>
    %jit3A_262 = arith.constant -1.000000e+30 : f32
    %broadcast_in_dim3A_263 = vector.broadcast %jit3A_262 : f32 to vector<32x16xf32>
    %select_n3A_264 = arith.select %and3A_261, %broadcast_in_dim3A_263, %select_n3A_216 : vector<32x16xi1>, vector<32x16xf32>
    %reduce_max3A_265 = arith.constant dense<0xFF800000> : vector<32xf32>
    %reduce_max3A_266 = vector.multi_reduction <maximumf>, %select_n3A_258, %reduce_max3A_265 [1] : vector<32x4096xf32> to vector<32xf32>
    %broadcast_in_dim3A_267 = vector.shape_cast %reduce_max3A_266 : vector<32xf32> to vector<32x1xf32>
    %reduce_max3A_268 = arith.constant dense<0xFF800000> : vector<32xf32>
    %reduce_max3A_269 = vector.multi_reduction <maximumf>, %select_n3A_264, %reduce_max3A_268 [1] : vector<32x16xf32> to vector<32xf32>
    %broadcast_in_dim3A_270 = vector.shape_cast %reduce_max3A_269 : vector<32xf32> to vector<32x1xf32>
    %max3A_271 = arith.maximumf %broadcast_in_dim3A_267, %broadcast_in_dim3A_270 : vector<32x1xf32>
    %eq3A_272 = vector.broadcast %max3A_271 : vector<32x1xf32> to vector<32x4096xf32>
    %eq3A_273 = arith.cmpf oeq, %select_n3A_258, %eq3A_272 : vector<32x4096xf32>
    %eq3A_274 = vector.broadcast %max3A_271 : vector<32x1xf32> to vector<32x16xf32>
    %eq3A_275 = arith.cmpf oeq, %select_n3A_264, %eq3A_274 : vector<32x16xf32>
    %jit3A_276 = arith.constant 2147483647 : i32
    %broadcast_in_dim3A_277 = vector.broadcast %jit3A_276 : i32 to vector<32x4096xi32>
    %select_n3A_278 = arith.select %eq3A_273, %add3A_16, %broadcast_in_dim3A_277 : vector<32x4096xi1>, vector<32x4096xi32>
    %reduce_min3A_279 = arith.constant dense<2147483647> : vector<32xi32>
    %reduce_min3A_280 = vector.multi_reduction <minsi>, %select_n3A_278, %reduce_min3A_279 [1] : vector<32x4096xi32> to vector<32xi32>
    %broadcast_in_dim3A_281 = vector.shape_cast %reduce_min3A_280 : vector<32xi32> to vector<32x1xi32>
    %jit3A_282 = arith.constant 2147483647 : i32
    %broadcast_in_dim3A_283 = vector.broadcast %jit3A_282 : i32 to vector<32x16xi32>
    %select_n3A_284 = arith.select %eq3A_275, %get3A_24, %broadcast_in_dim3A_283 : vector<32x16xi1>, vector<32x16xi32>
    %reduce_min3A_285 = arith.constant dense<2147483647> : vector<32xi32>
    %reduce_min3A_286 = vector.multi_reduction <minsi>, %select_n3A_284, %reduce_min3A_285 [1] : vector<32x16xi32> to vector<32xi32>
    %broadcast_in_dim3A_287 = vector.shape_cast %reduce_min3A_286 : vector<32xi32> to vector<32x1xi32>
    %min3A_288 = arith.minsi %broadcast_in_dim3A_281, %broadcast_in_dim3A_287 : vector<32x1xi32>
    %eq3A_289 = arith.constant 5 : i32
    %eq3A_290 = vector.broadcast %eq3A_289 : i32 to vector<32x16xi32>
    %eq3A_291 = arith.cmpi eq, %iota3A_25, %eq3A_290 : vector<32x16xi32>
    %broadcast_in_dim3A_292 = vector.shape_cast %max3A_271 : vector<32x1xf32> to vector<32x1xf32>
    %broadcast_in_dim3A_293 = vector.broadcast %broadcast_in_dim3A_292 : vector<32x1xf32> to vector<32x16xf32>
    %select_n3A_294 = arith.select %eq3A_291, %broadcast_in_dim3A_293, %select_n3A_246 : vector<32x16xi1>, vector<32x16xf32>
    %eq3A_295 = arith.constant 5 : i32
    %eq3A_296 = vector.broadcast %eq3A_295 : i32 to vector<32x16xi32>
    %eq3A_297 = arith.cmpi eq, %iota3A_25, %eq3A_296 : vector<32x16xi32>
    %broadcast_in_dim3A_298 = vector.shape_cast %min3A_288 : vector<32x1xi32> to vector<32x1xi32>
    %broadcast_in_dim3A_299 = vector.broadcast %broadcast_in_dim3A_298 : vector<32x1xi32> to vector<32x16xi32>
    %select_n3A_300 = arith.select %eq3A_297, %broadcast_in_dim3A_299, %select_n3A_252 : vector<32x16xi1>, vector<32x16xi32>
    %eq3A_301 = vector.broadcast %min3A_288 : vector<32x1xi32> to vector<32x4096xi32>
    %eq3A_302 = arith.cmpi eq, %add3A_16, %eq3A_301 : vector<32x4096xi32>
    %and3A_303 = arith.andi %eq3A_273, %eq3A_302 : vector<32x4096xi1>
    %jit3A_304 = arith.constant -1.000000e+30 : f32
    %broadcast_in_dim3A_305 = vector.broadcast %jit3A_304 : f32 to vector<32x4096xf32>
    %select_n3A_306 = arith.select %and3A_303, %broadcast_in_dim3A_305, %select_n3A_258 : vector<32x4096xi1>, vector<32x4096xf32>
    %eq3A_307 = vector.broadcast %min3A_288 : vector<32x1xi32> to vector<32x16xi32>
    %eq3A_308 = arith.cmpi eq, %get3A_24, %eq3A_307 : vector<32x16xi32>
    %and3A_309 = arith.andi %eq3A_275, %eq3A_308 : vector<32x16xi1>
    %jit3A_310 = arith.constant -1.000000e+30 : f32
    %broadcast_in_dim3A_311 = vector.broadcast %jit3A_310 : f32 to vector<32x16xf32>
    %select_n3A_312 = arith.select %and3A_309, %broadcast_in_dim3A_311, %select_n3A_264 : vector<32x16xi1>, vector<32x16xf32>
    %reduce_max3A_313 = arith.constant dense<0xFF800000> : vector<32xf32>
    %reduce_max3A_314 = vector.multi_reduction <maximumf>, %select_n3A_306, %reduce_max3A_313 [1] : vector<32x4096xf32> to vector<32xf32>
    %broadcast_in_dim3A_315 = vector.shape_cast %reduce_max3A_314 : vector<32xf32> to vector<32x1xf32>
    %reduce_max3A_316 = arith.constant dense<0xFF800000> : vector<32xf32>
    %reduce_max3A_317 = vector.multi_reduction <maximumf>, %select_n3A_312, %reduce_max3A_316 [1] : vector<32x16xf32> to vector<32xf32>
    %broadcast_in_dim3A_318 = vector.shape_cast %reduce_max3A_317 : vector<32xf32> to vector<32x1xf32>
    %max3A_319 = arith.maximumf %broadcast_in_dim3A_315, %broadcast_in_dim3A_318 : vector<32x1xf32>
    %eq3A_320 = vector.broadcast %max3A_319 : vector<32x1xf32> to vector<32x4096xf32>
    %eq3A_321 = arith.cmpf oeq, %select_n3A_306, %eq3A_320 : vector<32x4096xf32>
    %eq3A_322 = vector.broadcast %max3A_319 : vector<32x1xf32> to vector<32x16xf32>
    %eq3A_323 = arith.cmpf oeq, %select_n3A_312, %eq3A_322 : vector<32x16xf32>
    %jit3A_324 = arith.constant 2147483647 : i32
    %broadcast_in_dim3A_325 = vector.broadcast %jit3A_324 : i32 to vector<32x4096xi32>
    %select_n3A_326 = arith.select %eq3A_321, %add3A_16, %broadcast_in_dim3A_325 : vector<32x4096xi1>, vector<32x4096xi32>
    %reduce_min3A_327 = arith.constant dense<2147483647> : vector<32xi32>
    %reduce_min3A_328 = vector.multi_reduction <minsi>, %select_n3A_326, %reduce_min3A_327 [1] : vector<32x4096xi32> to vector<32xi32>
    %broadcast_in_dim3A_329 = vector.shape_cast %reduce_min3A_328 : vector<32xi32> to vector<32x1xi32>
    %jit3A_330 = arith.constant 2147483647 : i32
    %broadcast_in_dim3A_331 = vector.broadcast %jit3A_330 : i32 to vector<32x16xi32>
    %select_n3A_332 = arith.select %eq3A_323, %get3A_24, %broadcast_in_dim3A_331 : vector<32x16xi1>, vector<32x16xi32>
    %reduce_min3A_333 = arith.constant dense<2147483647> : vector<32xi32>
    %reduce_min3A_334 = vector.multi_reduction <minsi>, %select_n3A_332, %reduce_min3A_333 [1] : vector<32x16xi32> to vector<32xi32>
    %broadcast_in_dim3A_335 = vector.shape_cast %reduce_min3A_334 : vector<32xi32> to vector<32x1xi32>
    %min3A_336 = arith.minsi %broadcast_in_dim3A_329, %broadcast_in_dim3A_335 : vector<32x1xi32>
    %eq3A_337 = arith.constant 6 : i32
    %eq3A_338 = vector.broadcast %eq3A_337 : i32 to vector<32x16xi32>
    %eq3A_339 = arith.cmpi eq, %iota3A_25, %eq3A_338 : vector<32x16xi32>
    %broadcast_in_dim3A_340 = vector.shape_cast %max3A_319 : vector<32x1xf32> to vector<32x1xf32>
    %broadcast_in_dim3A_341 = vector.broadcast %broadcast_in_dim3A_340 : vector<32x1xf32> to vector<32x16xf32>
    %select_n3A_342 = arith.select %eq3A_339, %broadcast_in_dim3A_341, %select_n3A_294 : vector<32x16xi1>, vector<32x16xf32>
    %eq3A_343 = arith.constant 6 : i32
    %eq3A_344 = vector.broadcast %eq3A_343 : i32 to vector<32x16xi32>
    %eq3A_345 = arith.cmpi eq, %iota3A_25, %eq3A_344 : vector<32x16xi32>
    %broadcast_in_dim3A_346 = vector.shape_cast %min3A_336 : vector<32x1xi32> to vector<32x1xi32>
    %broadcast_in_dim3A_347 = vector.broadcast %broadcast_in_dim3A_346 : vector<32x1xi32> to vector<32x16xi32>
    %select_n3A_348 = arith.select %eq3A_345, %broadcast_in_dim3A_347, %select_n3A_300 : vector<32x16xi1>, vector<32x16xi32>
    %eq3A_349 = vector.broadcast %min3A_336 : vector<32x1xi32> to vector<32x4096xi32>
    %eq3A_350 = arith.cmpi eq, %add3A_16, %eq3A_349 : vector<32x4096xi32>
    %and3A_351 = arith.andi %eq3A_321, %eq3A_350 : vector<32x4096xi1>
    %jit3A_352 = arith.constant -1.000000e+30 : f32
    %broadcast_in_dim3A_353 = vector.broadcast %jit3A_352 : f32 to vector<32x4096xf32>
    %select_n3A_354 = arith.select %and3A_351, %broadcast_in_dim3A_353, %select_n3A_306 : vector<32x4096xi1>, vector<32x4096xf32>
    %eq3A_355 = vector.broadcast %min3A_336 : vector<32x1xi32> to vector<32x16xi32>
    %eq3A_356 = arith.cmpi eq, %get3A_24, %eq3A_355 : vector<32x16xi32>
    %and3A_357 = arith.andi %eq3A_323, %eq3A_356 : vector<32x16xi1>
    %jit3A_358 = arith.constant -1.000000e+30 : f32
    %broadcast_in_dim3A_359 = vector.broadcast %jit3A_358 : f32 to vector<32x16xf32>
    %select_n3A_360 = arith.select %and3A_357, %broadcast_in_dim3A_359, %select_n3A_312 : vector<32x16xi1>, vector<32x16xf32>
    %reduce_max3A_361 = arith.constant dense<0xFF800000> : vector<32xf32>
    %reduce_max3A_362 = vector.multi_reduction <maximumf>, %select_n3A_354, %reduce_max3A_361 [1] : vector<32x4096xf32> to vector<32xf32>
    %broadcast_in_dim3A_363 = vector.shape_cast %reduce_max3A_362 : vector<32xf32> to vector<32x1xf32>
    %reduce_max3A_364 = arith.constant dense<0xFF800000> : vector<32xf32>
    %reduce_max3A_365 = vector.multi_reduction <maximumf>, %select_n3A_360, %reduce_max3A_364 [1] : vector<32x16xf32> to vector<32xf32>
    %broadcast_in_dim3A_366 = vector.shape_cast %reduce_max3A_365 : vector<32xf32> to vector<32x1xf32>
    %max3A_367 = arith.maximumf %broadcast_in_dim3A_363, %broadcast_in_dim3A_366 : vector<32x1xf32>
    %eq3A_368 = vector.broadcast %max3A_367 : vector<32x1xf32> to vector<32x4096xf32>
    %eq3A_369 = arith.cmpf oeq, %select_n3A_354, %eq3A_368 : vector<32x4096xf32>
    %eq3A_370 = vector.broadcast %max3A_367 : vector<32x1xf32> to vector<32x16xf32>
    %eq3A_371 = arith.cmpf oeq, %select_n3A_360, %eq3A_370 : vector<32x16xf32>
    %jit3A_372 = arith.constant 2147483647 : i32
    %broadcast_in_dim3A_373 = vector.broadcast %jit3A_372 : i32 to vector<32x4096xi32>
    %select_n3A_374 = arith.select %eq3A_369, %add3A_16, %broadcast_in_dim3A_373 : vector<32x4096xi1>, vector<32x4096xi32>
    %reduce_min3A_375 = arith.constant dense<2147483647> : vector<32xi32>
    %reduce_min3A_376 = vector.multi_reduction <minsi>, %select_n3A_374, %reduce_min3A_375 [1] : vector<32x4096xi32> to vector<32xi32>
    %broadcast_in_dim3A_377 = vector.shape_cast %reduce_min3A_376 : vector<32xi32> to vector<32x1xi32>
    %jit3A_378 = arith.constant 2147483647 : i32
    %broadcast_in_dim3A_379 = vector.broadcast %jit3A_378 : i32 to vector<32x16xi32>
    %select_n3A_380 = arith.select %eq3A_371, %get3A_24, %broadcast_in_dim3A_379 : vector<32x16xi1>, vector<32x16xi32>
    %reduce_min3A_381 = arith.constant dense<2147483647> : vector<32xi32>
    %reduce_min3A_382 = vector.multi_reduction <minsi>, %select_n3A_380, %reduce_min3A_381 [1] : vector<32x16xi32> to vector<32xi32>
    %broadcast_in_dim3A_383 = vector.shape_cast %reduce_min3A_382 : vector<32xi32> to vector<32x1xi32>
    %min3A_384 = arith.minsi %broadcast_in_dim3A_377, %broadcast_in_dim3A_383 : vector<32x1xi32>
    %eq3A_385 = arith.constant 7 : i32
    %eq3A_386 = vector.broadcast %eq3A_385 : i32 to vector<32x16xi32>
    %eq3A_387 = arith.cmpi eq, %iota3A_25, %eq3A_386 : vector<32x16xi32>
    %broadcast_in_dim3A_388 = vector.shape_cast %max3A_367 : vector<32x1xf32> to vector<32x1xf32>
    %broadcast_in_dim3A_389 = vector.broadcast %broadcast_in_dim3A_388 : vector<32x1xf32> to vector<32x16xf32>
    %select_n3A_390 = arith.select %eq3A_387, %broadcast_in_dim3A_389, %select_n3A_342 : vector<32x16xi1>, vector<32x16xf32>
    %eq3A_391 = arith.constant 7 : i32
    %eq3A_392 = vector.broadcast %eq3A_391 : i32 to vector<32x16xi32>
    %eq3A_393 = arith.cmpi eq, %iota3A_25, %eq3A_392 : vector<32x16xi32>
    %broadcast_in_dim3A_394 = vector.shape_cast %min3A_384 : vector<32x1xi32> to vector<32x1xi32>
    %broadcast_in_dim3A_395 = vector.broadcast %broadcast_in_dim3A_394 : vector<32x1xi32> to vector<32x16xi32>
    %select_n3A_396 = arith.select %eq3A_393, %broadcast_in_dim3A_395, %select_n3A_348 : vector<32x16xi1>, vector<32x16xi32>
    %eq3A_397 = vector.broadcast %min3A_384 : vector<32x1xi32> to vector<32x4096xi32>
    %eq3A_398 = arith.cmpi eq, %add3A_16, %eq3A_397 : vector<32x4096xi32>
    %and3A_399 = arith.andi %eq3A_369, %eq3A_398 : vector<32x4096xi1>
    %jit3A_400 = arith.constant -1.000000e+30 : f32
    %broadcast_in_dim3A_401 = vector.broadcast %jit3A_400 : f32 to vector<32x4096xf32>
    %select_n3A_402 = arith.select %and3A_399, %broadcast_in_dim3A_401, %select_n3A_354 : vector<32x4096xi1>, vector<32x4096xf32>
    %eq3A_403 = vector.broadcast %min3A_384 : vector<32x1xi32> to vector<32x16xi32>
    %eq3A_404 = arith.cmpi eq, %get3A_24, %eq3A_403 : vector<32x16xi32>
    %and3A_405 = arith.andi %eq3A_371, %eq3A_404 : vector<32x16xi1>
    %jit3A_406 = arith.constant -1.000000e+30 : f32
    %broadcast_in_dim3A_407 = vector.broadcast %jit3A_406 : f32 to vector<32x16xf32>
    %select_n3A_408 = arith.select %and3A_405, %broadcast_in_dim3A_407, %select_n3A_360 : vector<32x16xi1>, vector<32x16xf32>
    %reduce_max3A_409 = arith.constant dense<0xFF800000> : vector<32xf32>
    %reduce_max3A_410 = vector.multi_reduction <maximumf>, %select_n3A_402, %reduce_max3A_409 [1] : vector<32x4096xf32> to vector<32xf32>
    %broadcast_in_dim3A_411 = vector.shape_cast %reduce_max3A_410 : vector<32xf32> to vector<32x1xf32>
    %reduce_max3A_412 = arith.constant dense<0xFF800000> : vector<32xf32>
    %reduce_max3A_413 = vector.multi_reduction <maximumf>, %select_n3A_408, %reduce_max3A_412 [1] : vector<32x16xf32> to vector<32xf32>
    %broadcast_in_dim3A_414 = vector.shape_cast %reduce_max3A_413 : vector<32xf32> to vector<32x1xf32>
    %max3A_415 = arith.maximumf %broadcast_in_dim3A_411, %broadcast_in_dim3A_414 : vector<32x1xf32>
    %eq3A_416 = vector.broadcast %max3A_415 : vector<32x1xf32> to vector<32x4096xf32>
    %eq3A_417 = arith.cmpf oeq, %select_n3A_402, %eq3A_416 : vector<32x4096xf32>
    %eq3A_418 = vector.broadcast %max3A_415 : vector<32x1xf32> to vector<32x16xf32>
    %eq3A_419 = arith.cmpf oeq, %select_n3A_408, %eq3A_418 : vector<32x16xf32>
    %jit3A_420 = arith.constant 2147483647 : i32
    %broadcast_in_dim3A_421 = vector.broadcast %jit3A_420 : i32 to vector<32x4096xi32>
    %select_n3A_422 = arith.select %eq3A_417, %add3A_16, %broadcast_in_dim3A_421 : vector<32x4096xi1>, vector<32x4096xi32>
    %reduce_min3A_423 = arith.constant dense<2147483647> : vector<32xi32>
    %reduce_min3A_424 = vector.multi_reduction <minsi>, %select_n3A_422, %reduce_min3A_423 [1] : vector<32x4096xi32> to vector<32xi32>
    %broadcast_in_dim3A_425 = vector.shape_cast %reduce_min3A_424 : vector<32xi32> to vector<32x1xi32>
    %jit3A_426 = arith.constant 2147483647 : i32
    %broadcast_in_dim3A_427 = vector.broadcast %jit3A_426 : i32 to vector<32x16xi32>
    %select_n3A_428 = arith.select %eq3A_419, %get3A_24, %broadcast_in_dim3A_427 : vector<32x16xi1>, vector<32x16xi32>
    %reduce_min3A_429 = arith.constant dense<2147483647> : vector<32xi32>
    %reduce_min3A_430 = vector.multi_reduction <minsi>, %select_n3A_428, %reduce_min3A_429 [1] : vector<32x16xi32> to vector<32xi32>
    %broadcast_in_dim3A_431 = vector.shape_cast %reduce_min3A_430 : vector<32xi32> to vector<32x1xi32>
    %min3A_432 = arith.minsi %broadcast_in_dim3A_425, %broadcast_in_dim3A_431 : vector<32x1xi32>
    %eq3A_433 = arith.constant 8 : i32
    %eq3A_434 = vector.broadcast %eq3A_433 : i32 to vector<32x16xi32>
    %eq3A_435 = arith.cmpi eq, %iota3A_25, %eq3A_434 : vector<32x16xi32>
    %broadcast_in_dim3A_436 = vector.shape_cast %max3A_415 : vector<32x1xf32> to vector<32x1xf32>
    %broadcast_in_dim3A_437 = vector.broadcast %broadcast_in_dim3A_436 : vector<32x1xf32> to vector<32x16xf32>
    %select_n3A_438 = arith.select %eq3A_435, %broadcast_in_dim3A_437, %select_n3A_390 : vector<32x16xi1>, vector<32x16xf32>
    %eq3A_439 = arith.constant 8 : i32
    %eq3A_440 = vector.broadcast %eq3A_439 : i32 to vector<32x16xi32>
    %eq3A_441 = arith.cmpi eq, %iota3A_25, %eq3A_440 : vector<32x16xi32>
    %broadcast_in_dim3A_442 = vector.shape_cast %min3A_432 : vector<32x1xi32> to vector<32x1xi32>
    %broadcast_in_dim3A_443 = vector.broadcast %broadcast_in_dim3A_442 : vector<32x1xi32> to vector<32x16xi32>
    %select_n3A_444 = arith.select %eq3A_441, %broadcast_in_dim3A_443, %select_n3A_396 : vector<32x16xi1>, vector<32x16xi32>
    %eq3A_445 = vector.broadcast %min3A_432 : vector<32x1xi32> to vector<32x4096xi32>
    %eq3A_446 = arith.cmpi eq, %add3A_16, %eq3A_445 : vector<32x4096xi32>
    %and3A_447 = arith.andi %eq3A_417, %eq3A_446 : vector<32x4096xi1>
    %jit3A_448 = arith.constant -1.000000e+30 : f32
    %broadcast_in_dim3A_449 = vector.broadcast %jit3A_448 : f32 to vector<32x4096xf32>
    %select_n3A_450 = arith.select %and3A_447, %broadcast_in_dim3A_449, %select_n3A_402 : vector<32x4096xi1>, vector<32x4096xf32>
    %eq3A_451 = vector.broadcast %min3A_432 : vector<32x1xi32> to vector<32x16xi32>
    %eq3A_452 = arith.cmpi eq, %get3A_24, %eq3A_451 : vector<32x16xi32>
    %and3A_453 = arith.andi %eq3A_419, %eq3A_452 : vector<32x16xi1>
    %jit3A_454 = arith.constant -1.000000e+30 : f32
    %broadcast_in_dim3A_455 = vector.broadcast %jit3A_454 : f32 to vector<32x16xf32>
    %select_n3A_456 = arith.select %and3A_453, %broadcast_in_dim3A_455, %select_n3A_408 : vector<32x16xi1>, vector<32x16xf32>
    %reduce_max3A_457 = arith.constant dense<0xFF800000> : vector<32xf32>
    %reduce_max3A_458 = vector.multi_reduction <maximumf>, %select_n3A_450, %reduce_max3A_457 [1] : vector<32x4096xf32> to vector<32xf32>
    %broadcast_in_dim3A_459 = vector.shape_cast %reduce_max3A_458 : vector<32xf32> to vector<32x1xf32>
    %reduce_max3A_460 = arith.constant dense<0xFF800000> : vector<32xf32>
    %reduce_max3A_461 = vector.multi_reduction <maximumf>, %select_n3A_456, %reduce_max3A_460 [1] : vector<32x16xf32> to vector<32xf32>
    %broadcast_in_dim3A_462 = vector.shape_cast %reduce_max3A_461 : vector<32xf32> to vector<32x1xf32>
    %max3A_463 = arith.maximumf %broadcast_in_dim3A_459, %broadcast_in_dim3A_462 : vector<32x1xf32>
    %eq3A_464 = vector.broadcast %max3A_463 : vector<32x1xf32> to vector<32x4096xf32>
    %eq3A_465 = arith.cmpf oeq, %select_n3A_450, %eq3A_464 : vector<32x4096xf32>
    %eq3A_466 = vector.broadcast %max3A_463 : vector<32x1xf32> to vector<32x16xf32>
    %eq3A_467 = arith.cmpf oeq, %select_n3A_456, %eq3A_466 : vector<32x16xf32>
    %jit3A_468 = arith.constant 2147483647 : i32
    %broadcast_in_dim3A_469 = vector.broadcast %jit3A_468 : i32 to vector<32x4096xi32>
    %select_n3A_470 = arith.select %eq3A_465, %add3A_16, %broadcast_in_dim3A_469 : vector<32x4096xi1>, vector<32x4096xi32>
    %reduce_min3A_471 = arith.constant dense<2147483647> : vector<32xi32>
    %reduce_min3A_472 = vector.multi_reduction <minsi>, %select_n3A_470, %reduce_min3A_471 [1] : vector<32x4096xi32> to vector<32xi32>
    %broadcast_in_dim3A_473 = vector.shape_cast %reduce_min3A_472 : vector<32xi32> to vector<32x1xi32>
    %jit3A_474 = arith.constant 2147483647 : i32
    %broadcast_in_dim3A_475 = vector.broadcast %jit3A_474 : i32 to vector<32x16xi32>
    %select_n3A_476 = arith.select %eq3A_467, %get3A_24, %broadcast_in_dim3A_475 : vector<32x16xi1>, vector<32x16xi32>
    %reduce_min3A_477 = arith.constant dense<2147483647> : vector<32xi32>
    %reduce_min3A_478 = vector.multi_reduction <minsi>, %select_n3A_476, %reduce_min3A_477 [1] : vector<32x16xi32> to vector<32xi32>
    %broadcast_in_dim3A_479 = vector.shape_cast %reduce_min3A_478 : vector<32xi32> to vector<32x1xi32>
    %min3A_480 = arith.minsi %broadcast_in_dim3A_473, %broadcast_in_dim3A_479 : vector<32x1xi32>
    %eq3A_481 = arith.constant 9 : i32
    %eq3A_482 = vector.broadcast %eq3A_481 : i32 to vector<32x16xi32>
    %eq3A_483 = arith.cmpi eq, %iota3A_25, %eq3A_482 : vector<32x16xi32>
    %broadcast_in_dim3A_484 = vector.shape_cast %max3A_463 : vector<32x1xf32> to vector<32x1xf32>
    %broadcast_in_dim3A_485 = vector.broadcast %broadcast_in_dim3A_484 : vector<32x1xf32> to vector<32x16xf32>
    %select_n3A_486 = arith.select %eq3A_483, %broadcast_in_dim3A_485, %select_n3A_438 : vector<32x16xi1>, vector<32x16xf32>
    %eq3A_487 = arith.constant 9 : i32
    %eq3A_488 = vector.broadcast %eq3A_487 : i32 to vector<32x16xi32>
    %eq3A_489 = arith.cmpi eq, %iota3A_25, %eq3A_488 : vector<32x16xi32>
    %broadcast_in_dim3A_490 = vector.shape_cast %min3A_480 : vector<32x1xi32> to vector<32x1xi32>
    %broadcast_in_dim3A_491 = vector.broadcast %broadcast_in_dim3A_490 : vector<32x1xi32> to vector<32x16xi32>
    %select_n3A_492 = arith.select %eq3A_489, %broadcast_in_dim3A_491, %select_n3A_444 : vector<32x16xi1>, vector<32x16xi32>
    %swap3A_493 = arith.constant 0 : index
    %swap3A_494 = arith.constant 0 : index
    %swap3A_495 = vector.load %arg7[%swap3A_493, %swap3A_494] : memref<32x16xf32, #tpu.memory_space<vmem>>, vector<32x16xf32>
    tpu.vector_store %arg7[%swap3A_493, %swap3A_494], %select_n3A_486 {strides = array<i32>} : memref<32x16xf32, #tpu.memory_space<vmem>>, vector<32x16xf32>,
    %swap3A_496 = arith.constant 0 : index
    %swap3A_497 = arith.constant 0 : index
    %swap3A_498 = vector.load %arg8[%swap3A_496, %swap3A_497] : memref<32x16xi32, #tpu.memory_space<vmem>>, vector<32x16xi32>
    tpu.vector_store %arg8[%swap3A_496, %swap3A_497], %select_n3A_492 {strides = array<i32>} : memref<32x16xi32, #tpu.memory_space<vmem>>, vector<32x16xi32>,
    %eq3A_499 = arith.constant 24 : i32
    %eq3A_500 = arith.cmpi eq, %arg0, %eq3A_499 : i32
    %convert_element_type3A_501 = arith.extui %eq3A_500 : i1 to i32
    %cond3A_502 = arith.constant 0 : i32
    %cond3A_503 = arith.cmpi ne, %convert_element_type3A_501, %cond3A_502 : i32
    scf.if %cond3A_503 {
      %swap3A_504 = arith.constant 0 : index
      %swap3A_505 = arith.constant 0 : index
      %swap3A_506 = vector.load %arg5[%swap3A_504, %swap3A_505] : memref<32x16xf32, #tpu.memory_space<vmem>>, vector<32x16xf32>
      tpu.vector_store %arg5[%swap3A_504, %swap3A_505], %select_n3A_486 {strides = array<i32>} : memref<32x16xf32, #tpu.memory_space<vmem>>, vector<32x16xf32>,
      %swap3A_507 = arith.constant 0 : index
      %swap3A_508 = arith.constant 0 : index
      %swap3A_509 = vector.load %arg6[%swap3A_507, %swap3A_508] : memref<32x16xi32, #tpu.memory_space<vmem>>, vector<32x16xi32>
      tpu.vector_store %arg6[%swap3A_507, %swap3A_508], %select_n3A_492 {strides = array<i32>} : memref<32x16xi32, #tpu.memory_space<vmem>>, vector<32x16xi32>,
    } else {
    }
    return
  }
  func.func @transform_0(%arg0: i32) -> (i32, i32) {
    %c0_i32 = arith.constant 0 : i32
    %c0_i32_0 = arith.constant 0 : i32
    %c0_i32_1 = arith.constant 0 : i32
    return %c0_i32, %c0_i32_0 : i32, i32
  }
  func.func @transform_1(%arg0: i32) -> (i32, i32) {
    %c0_i32 = arith.constant 0 : i32
    %c0_i32_0 = arith.constant 0 : i32
    return %c0_i32, %arg0 : i32, i32
  }
  func.func @transform_2(%arg0: i32) -> (i32, i32) {
    %c0_i32 = arith.constant 0 : i32
    %c0_i32_0 = arith.constant 0 : i32
    return %c0_i32, %arg0 : i32, i32
  }
  func.func @transform_3(%arg0: i32) -> (i32, i32) {
    %c0_i32 = arith.constant 0 : i32
    %c0_i32_0 = arith.constant 0 : i32
    return %c0_i32, %arg0 : i32, i32
  }
  func.func @transform_4(%arg0: i32) -> (i32, i32) {
    %c0_i32 = arith.constant 0 : i32
    %c0_i32_0 = arith.constant 0 : i32
    %c0_i32_1 = arith.constant 0 : i32
    return %c0_i32, %c0_i32_0 : i32, i32
  }
  func.func @transform_5(%arg0: i32) -> (i32, i32) {
    %c0_i32 = arith.constant 0 : i32
    %c0_i32_0 = arith.constant 0 : i32
    %c0_i32_1 = arith.constant 0 : i32
    return %c0_i32, %c0_i32_0 : i32, i32
  }
}

module attributes {stable_mosaic.version = 14 : i64} {
  func.func @_proj_topk_kernel(%arg0: i32, %arg1: memref<32x512xf32, #tpu.memory_space<vmem>>, %arg2: memref<512x4096xf32, #tpu.memory_space<vmem>>, %arg3: memref<1x4096xf32, #tpu.memory_space<vmem>>, %arg4: memref<32x4096xf32, #tpu.memory_space<vmem>>, %arg5: memref<32x16xf32, #tpu.memory_space<vmem>>, %arg6: memref<32x16xi32, #tpu.memory_space<vmem>>, %arg7: memref<32x16xf32, #tpu.memory_space<vmem>>, %arg8: memref<32x16xi32, #tpu.memory_space<vmem>>) attributes {dimension_semantics = [#tpu.dimension_semantics<arbitrary>], iteration_bounds = array<i64: 25>, scalar_prefetch = 0 : i64, scratch_operands = 2 : i64, tpu.core_type = #tpu.core_type<tc>, window_params = [{pipeline_mode = #tpu.pipeline_mode<synchronous>, transform_indices = @transform_0, window_bounds = array<i64: 32, 512>}, {transform_indices = @transform_1, window_bounds = array<i64: 512, 4096>}, {transform_indices = @transform_2, window_bounds = array<i64: 1, 4096>}, {transform_indices = @transform_3, window_bounds = array<i64: 32, 4096>}, {pipeline_mode = #tpu.pipeline_mode<synchronous>, transform_indices = @transform_4, window_bounds = array<i64: 32, 16>}, {pipeline_mode = #tpu.pipeline_mode<synchronous>, transform_indices = @transform_5, window_bounds = array<i64: 32, 16>}]} {
    %eq3A = arith.constant 0 : i32
    %eq3A_0 = arith.cmpi eq, %arg0, %eq3A : i32
    %convert_element_type3A = arith.extui %eq3A_0 : i1 to i32
    %cond3A = arith.constant 0 : i32
    %cond3A_1 = arith.cmpi ne, %convert_element_type3A, %cond3A : i32
    scf.if %cond3A_1 {
      %broadcast_in_dim3A_504 = arith.constant -1.000000e+30 : f32
      %broadcast_in_dim3A_505 = vector.broadcast %broadcast_in_dim3A_504 : f32 to vector<32x16xf32>
      %swap3A_506 = arith.constant 0 : index
      %swap3A_507 = arith.constant 0 : index
      %swap3A_508 = vector.load %arg7[%swap3A_506, %swap3A_507] : memref<32x16xf32, #tpu.memory_space<vmem>>, vector<32x16xf32>
      tpu.vector_store %arg7[%swap3A_506, %swap3A_507], %broadcast_in_dim3A_505 {strides = array<i32>} : memref<32x16xf32, #tpu.memory_space<vmem>>, vector<32x16xf32>,
      %broadcast_in_dim3A_509 = arith.constant 2147483647 : i32
      %broadcast_in_dim3A_510 = vector.broadcast %broadcast_in_dim3A_509 : i32 to vector<32x16xi32>
      %swap3A_511 = arith.constant 0 : index
      %swap3A_512 = arith.constant 0 : index
      %swap3A_513 = vector.load %arg8[%swap3A_511, %swap3A_512] : memref<32x16xi32, #tpu.memory_space<vmem>>, vector<32x16xi32>
      tpu.vector_store %arg8[%swap3A_511, %swap3A_512], %broadcast_in_dim3A_510 {strides = array<i32>} : memref<32x16xi32, #tpu.memory_space<vmem>>, vector<32x16xi32>,
    } else {
    }
    %get3A = arith.constant 0 : index
    %get3A_2 = arith.constant 0 : index
    %get3A_3 = vector.load %arg1[%get3A, %get3A_2] : memref<32x512xf32, #tpu.memory_space<vmem>>, vector<32x512xf32>
    %get3A_4 = arith.constant 0 : index
    %get3A_5 = arith.constant 0 : index
    %get3A_6 = vector.load %arg2[%get3A_4, %get3A_5] : memref<512x4096xf32, #tpu.memory_space<vmem>>, vector<512x4096xf32>
    %dot_general3A = arith.constant dense<0.000000e+00> : vector<32x4096xf32>
    %dot_general3A_7 = tpu.matmul %get3A_3, %get3A_6, %dot_general3A {dimension_numbers = #tpu.dot_dimension_numbers<[1], [0], [0], [1], [0, 0, 1, 1], [], []>, transpose_lhs_hint = false} : vector<32x512xf32>, vector<512x4096xf32>, vector<32x4096xf32> -> vector<32x4096xf32>
    %get3A_8 = arith.constant 0 : index
    %get3A_9 = arith.constant 0 : index
    %get3A_10 = vector.load %arg3[%get3A_8, %get3A_9] : memref<1x4096xf32, #tpu.memory_space<vmem>>, vector<1x4096xf32>
    %add3A = vector.broadcast %get3A_10 : vector<1x4096xf32> to vector<32x4096xf32>
    %add3A_11 = arith.addf %dot_general3A_7, %add3A : vector<32x4096xf32>
    %swap3A = arith.constant 0 : index
    %swap3A_12 = arith.constant 0 : index
    %swap3A_13 = vector.load %arg4[%swap3A, %swap3A_12] : memref<32x4096xf32, #tpu.memory_space<vmem>>, vector<32x4096xf32>
    tpu.vector_store %arg4[%swap3A, %swap3A_12], %add3A_11 {strides = array<i32>} : memref<32x4096xf32, #tpu.memory_space<vmem>>, vector<32x4096xf32>,
    %mul3A = arith.constant 4096 : i32
    %mul3A_14 = arith.muli %arg0, %mul3A : i32
    %iota3A = tpu.iota {dimensions = array<i32: 1>} : vector<32x4096xi32>
    %add3A_15 = vector.broadcast %mul3A_14 : i32 to vector<32x4096xi32>
    %add3A_16 = arith.addi %add3A_15, %iota3A : vector<32x4096xi32>
    %lt3A = arith.constant 100000 : i32
    %lt3A_17 = vector.broadcast %lt3A : i32 to vector<32x4096xi32>
    %lt3A_18 = arith.cmpi slt, %add3A_16, %lt3A_17 : vector<32x4096xi32>
    %jit3A = arith.constant -1.000000e+30 : f32
    %broadcast_in_dim3A = vector.broadcast %jit3A : f32 to vector<32x4096xf32>
    %select_n3A = arith.select %lt3A_18, %add3A_11, %broadcast_in_dim3A : vector<32x4096xi1>, vector<32x4096xf32>
    %get3A_19 = arith.constant 0 : index
    %get3A_20 = arith.constant 0 : index
    %get3A_21 = vector.load %arg7[%get3A_19, %get3A_20] : memref<32x16xf32, #tpu.memory_space<vmem>>, vector<32x16xf32>
    %get3A_22 = arith.constant 0 : index
    %get3A_23 = arith.constant 0 : index
    %get3A_24 = vector.load %arg8[%get3A_22, %get3A_23] : memref<32x16xi32, #tpu.memory_space<vmem>>, vector<32x16xi32>
    %iota3A_25 = tpu.iota {dimensions = array<i32: 1>} : vector<32x16xi32>
    %broadcast_in_dim3A_26 = arith.constant -1.000000e+30 : f32
    %broadcast_in_dim3A_27 = vector.broadcast %broadcast_in_dim3A_26 : f32 to vector<32x16xf32>
    %broadcast_in_dim3A_28 = arith.constant 2147483647 : i32
    %broadcast_in_dim3A_29 = vector.broadcast %broadcast_in_dim3A_28 : i32 to vector<32x16xi32>
    %reduce_max3A = arith.constant dense<0xFF800000> : vector<32xf32>
    %reduce_max3A_30 = vector.multi_reduction <maximumf>, %select_n3A, %reduce_max3A [1] : vector<32x4096xf32> to vector<32xf32>
    %broadcast_in_dim3A_31 = vector.shape_cast %reduce_max3A_30 : vector<32xf32> to vector<32x1xf32>
    %reduce_max3A_32 = arith.constant dense<0xFF800000> : vector<32xf32>
    %reduce_max3A_33 = vector.multi_reduction <maximumf>, %get3A_21, %reduce_max3A_32 [1] : vector<32x16xf32> to vector<32xf32>
    %broadcast_in_dim3A_34 = vector.shape_cast %reduce_max3A_33 : vector<32xf32> to vector<32x1xf32>
    %max3A = arith.maximumf %broadcast_in_dim3A_31, %broadcast_in_dim3A_34 : vector<32x1xf32>
    %eq3A_35 = vector.broadcast %max3A : vector<32x1xf32> to vector<32x4096xf32>
    %eq3A_36 = arith.cmpf oeq, %select_n3A, %eq3A_35 : vector<32x4096xf32>
    %eq3A_37 = vector.broadcast %max3A : vector<32x1xf32> to vector<32x16xf32>
    %eq3A_38 = arith.cmpf oeq, %get3A_21, %eq3A_37 : vector<32x16xf32>
    %jit3A_39 = arith.constant 2147483647 : i32
    %broadcast_in_dim3A_40 = vector.broadcast %jit3A_39 : i32 to vector<32x4096xi32>
    %select_n3A_41 = arith.select %eq3A_36, %add3A_16, %broadcast_in_dim3A_40 : vector<32x4096xi1>, vector<32x4096xi32>
    %reduce_min3A = arith.constant dense<2147483647> : vector<32xi32>
    %reduce_min3A_42 = vector.multi_reduction <minsi>, %select_n3A_41, %reduce_min3A [1] : vector<32x4096xi32> to vector<32xi32>
    %broadcast_in_dim3A_43 = vector.shape_cast %reduce_min3A_42 : vector<32xi32> to vector<32x1xi32>
    %jit3A_44 = arith.constant 2147483647 : i32
    %broadcast_in_dim3A_45 = vector.broadcast %jit3A_44 : i32 to vector<32x16xi32>
    %select_n3A_46 = arith.select %eq3A_38, %get3A_24, %broadcast_in_dim3A_45 : vector<32x16xi1>, vector<32x16xi32>
    %reduce_min3A_47 = arith.constant dense<2147483647> : vector<32xi32>
    %reduce_min3A_48 = vector.multi_reduction <minsi>, %select_n3A_46, %reduce_min3A_47 [1] : vector<32x16xi32> to vector<32xi32>
    %broadcast_in_dim3A_49 = vector.shape_cast %reduce_min3A_48 : vector<32xi32> to vector<32x1xi32>
    %min3A = arith.minsi %broadcast_in_dim3A_43, %broadcast_in_dim3A_49 : vector<32x1xi32>
    %eq3A_50 = arith.constant 0 : i32
    %eq3A_51 = vector.broadcast %eq3A_50 : i32 to vector<32x16xi32>
    %eq3A_52 = arith.cmpi eq, %iota3A_25, %eq3A_51 : vector<32x16xi32>
    %broadcast_in_dim3A_53 = vector.shape_cast %max3A : vector<32x1xf32> to vector<32x1xf32>
    %broadcast_in_dim3A_54 = vector.broadcast %broadcast_in_dim3A_53 : vector<32x1xf32> to vector<32x16xf32>
    %select_n3A_55 = arith.select %eq3A_52, %broadcast_in_dim3A_54, %broadcast_in_dim3A_27 : vector<32x16xi1>, vector<32x16xf32>
    %eq3A_56 = arith.constant 0 : i32
    %eq3A_57 = vector.broadcast %eq3A_56 : i32 to vector<32x16xi32>
    %eq3A_58 = arith.cmpi eq, %iota3A_25, %eq3A_57 : vector<32x16xi32>
    %broadcast_in_dim3A_59 = vector.shape_cast %min3A : vector<32x1xi32> to vector<32x1xi32>
    %broadcast_in_dim3A_60 = vector.broadcast %broadcast_in_dim3A_59 : vector<32x1xi32> to vector<32x16xi32>
    %select_n3A_61 = arith.select %eq3A_58, %broadcast_in_dim3A_60, %broadcast_in_dim3A_29 : vector<32x16xi1>, vector<32x16xi32>
    %eq3A_62 = vector.broadcast %min3A : vector<32x1xi32> to vector<32x4096xi32>
    %eq3A_63 = arith.cmpi eq, %add3A_16, %eq3A_62 : vector<32x4096xi32>
    %and3A = arith.andi %eq3A_36, %eq3A_63 : vector<32x4096xi1>
    %jit3A_64 = arith.constant -1.000000e+30 : f32
    %broadcast_in_dim3A_65 = vector.broadcast %jit3A_64 : f32 to vector<32x4096xf32>
    %select_n3A_66 = arith.select %and3A, %broadcast_in_dim3A_65, %select_n3A : vector<32x4096xi1>, vector<32x4096xf32>
    %eq3A_67 = vector.broadcast %min3A : vector<32x1xi32> to vector<32x16xi32>
    %eq3A_68 = arith.cmpi eq, %get3A_24, %eq3A_67 : vector<32x16xi32>
    %and3A_69 = arith.andi %eq3A_38, %eq3A_68 : vector<32x16xi1>
    %jit3A_70 = arith.constant -1.000000e+30 : f32
    %broadcast_in_dim3A_71 = vector.broadcast %jit3A_70 : f32 to vector<32x16xf32>
    %select_n3A_72 = arith.select %and3A_69, %broadcast_in_dim3A_71, %get3A_21 : vector<32x16xi1>, vector<32x16xf32>
    %reduce_max3A_73 = arith.constant dense<0xFF800000> : vector<32xf32>
    %reduce_max3A_74 = vector.multi_reduction <maximumf>, %select_n3A_66, %reduce_max3A_73 [1] : vector<32x4096xf32> to vector<32xf32>
    %broadcast_in_dim3A_75 = vector.shape_cast %reduce_max3A_74 : vector<32xf32> to vector<32x1xf32>
    %reduce_max3A_76 = arith.constant dense<0xFF800000> : vector<32xf32>
    %reduce_max3A_77 = vector.multi_reduction <maximumf>, %select_n3A_72, %reduce_max3A_76 [1] : vector<32x16xf32> to vector<32xf32>
    %broadcast_in_dim3A_78 = vector.shape_cast %reduce_max3A_77 : vector<32xf32> to vector<32x1xf32>
    %max3A_79 = arith.maximumf %broadcast_in_dim3A_75, %broadcast_in_dim3A_78 : vector<32x1xf32>
    %eq3A_80 = vector.broadcast %max3A_79 : vector<32x1xf32> to vector<32x4096xf32>
    %eq3A_81 = arith.cmpf oeq, %select_n3A_66, %eq3A_80 : vector<32x4096xf32>
    %eq3A_82 = vector.broadcast %max3A_79 : vector<32x1xf32> to vector<32x16xf32>
    %eq3A_83 = arith.cmpf oeq, %select_n3A_72, %eq3A_82 : vector<32x16xf32>
    %jit3A_84 = arith.constant 2147483647 : i32
    %broadcast_in_dim3A_85 = vector.broadcast %jit3A_84 : i32 to vector<32x4096xi32>
    %select_n3A_86 = arith.select %eq3A_81, %add3A_16, %broadcast_in_dim3A_85 : vector<32x4096xi1>, vector<32x4096xi32>
    %reduce_min3A_87 = arith.constant dense<2147483647> : vector<32xi32>
    %reduce_min3A_88 = vector.multi_reduction <minsi>, %select_n3A_86, %reduce_min3A_87 [1] : vector<32x4096xi32> to vector<32xi32>
    %broadcast_in_dim3A_89 = vector.shape_cast %reduce_min3A_88 : vector<32xi32> to vector<32x1xi32>
    %jit3A_90 = arith.constant 2147483647 : i32
    %broadcast_in_dim3A_91 = vector.broadcast %jit3A_90 : i32 to vector<32x16xi32>
    %select_n3A_92 = arith.select %eq3A_83, %get3A_24, %broadcast_in_dim3A_91 : vector<32x16xi1>, vector<32x16xi32>
    %reduce_min3A_93 = arith.constant dense<2147483647> : vector<32xi32>
    %reduce_min3A_94 = vector.multi_reduction <minsi>, %select_n3A_92, %reduce_min3A_93 [1] : vector<32x16xi32> to vector<32xi32>
    %broadcast_in_dim3A_95 = vector.shape_cast %reduce_min3A_94 : vector<32xi32> to vector<32x1xi32>
    %min3A_96 = arith.minsi %broadcast_in_dim3A_89, %broadcast_in_dim3A_95 : vector<32x1xi32>
    %eq3A_97 = arith.constant 1 : i32
    %eq3A_98 = vector.broadcast %eq3A_97 : i32 to vector<32x16xi32>
    %eq3A_99 = arith.cmpi eq, %iota3A_25, %eq3A_98 : vector<32x16xi32>
    %broadcast_in_dim3A_100 = vector.shape_cast %max3A_79 : vector<32x1xf32> to vector<32x1xf32>
    %broadcast_in_dim3A_101 = vector.broadcast %broadcast_in_dim3A_100 : vector<32x1xf32> to vector<32x16xf32>
    %select_n3A_102 = arith.select %eq3A_99, %broadcast_in_dim3A_101, %select_n3A_55 : vector<32x16xi1>, vector<32x16xf32>
    %eq3A_103 = arith.constant 1 : i32
    %eq3A_104 = vector.broadcast %eq3A_103 : i32 to vector<32x16xi32>
    %eq3A_105 = arith.cmpi eq, %iota3A_25, %eq3A_104 : vector<32x16xi32>
    %broadcast_in_dim3A_106 = vector.shape_cast %min3A_96 : vector<32x1xi32> to vector<32x1xi32>
    %broadcast_in_dim3A_107 = vector.broadcast %broadcast_in_dim3A_106 : vector<32x1xi32> to vector<32x16xi32>
    %select_n3A_108 = arith.select %eq3A_105, %broadcast_in_dim3A_107, %select_n3A_61 : vector<32x16xi1>, vector<32x16xi32>
    %eq3A_109 = vector.broadcast %min3A_96 : vector<32x1xi32> to vector<32x4096xi32>
    %eq3A_110 = arith.cmpi eq, %add3A_16, %eq3A_109 : vector<32x4096xi32>
    %and3A_111 = arith.andi %eq3A_81, %eq3A_110 : vector<32x4096xi1>
    %jit3A_112 = arith.constant -1.000000e+30 : f32
    %broadcast_in_dim3A_113 = vector.broadcast %jit3A_112 : f32 to vector<32x4096xf32>
    %select_n3A_114 = arith.select %and3A_111, %broadcast_in_dim3A_113, %select_n3A_66 : vector<32x4096xi1>, vector<32x4096xf32>
    %eq3A_115 = vector.broadcast %min3A_96 : vector<32x1xi32> to vector<32x16xi32>
    %eq3A_116 = arith.cmpi eq, %get3A_24, %eq3A_115 : vector<32x16xi32>
    %and3A_117 = arith.andi %eq3A_83, %eq3A_116 : vector<32x16xi1>
    %jit3A_118 = arith.constant -1.000000e+30 : f32
    %broadcast_in_dim3A_119 = vector.broadcast %jit3A_118 : f32 to vector<32x16xf32>
    %select_n3A_120 = arith.select %and3A_117, %broadcast_in_dim3A_119, %select_n3A_72 : vector<32x16xi1>, vector<32x16xf32>
    %reduce_max3A_121 = arith.constant dense<0xFF800000> : vector<32xf32>
    %reduce_max3A_122 = vector.multi_reduction <maximumf>, %select_n3A_114, %reduce_max3A_121 [1] : vector<32x4096xf32> to vector<32xf32>
    %broadcast_in_dim3A_123 = vector.shape_cast %reduce_max3A_122 : vector<32xf32> to vector<32x1xf32>
    %reduce_max3A_124 = arith.constant dense<0xFF800000> : vector<32xf32>
    %reduce_max3A_125 = vector.multi_reduction <maximumf>, %select_n3A_120, %reduce_max3A_124 [1] : vector<32x16xf32> to vector<32xf32>
    %broadcast_in_dim3A_126 = vector.shape_cast %reduce_max3A_125 : vector<32xf32> to vector<32x1xf32>
    %max3A_127 = arith.maximumf %broadcast_in_dim3A_123, %broadcast_in_dim3A_126 : vector<32x1xf32>
    %eq3A_128 = vector.broadcast %max3A_127 : vector<32x1xf32> to vector<32x4096xf32>
    %eq3A_129 = arith.cmpf oeq, %select_n3A_114, %eq3A_128 : vector<32x4096xf32>
    %eq3A_130 = vector.broadcast %max3A_127 : vector<32x1xf32> to vector<32x16xf32>
    %eq3A_131 = arith.cmpf oeq, %select_n3A_120, %eq3A_130 : vector<32x16xf32>
    %jit3A_132 = arith.constant 2147483647 : i32
    %broadcast_in_dim3A_133 = vector.broadcast %jit3A_132 : i32 to vector<32x4096xi32>
    %select_n3A_134 = arith.select %eq3A_129, %add3A_16, %broadcast_in_dim3A_133 : vector<32x4096xi1>, vector<32x4096xi32>
    %reduce_min3A_135 = arith.constant dense<2147483647> : vector<32xi32>
    %reduce_min3A_136 = vector.multi_reduction <minsi>, %select_n3A_134, %reduce_min3A_135 [1] : vector<32x4096xi32> to vector<32xi32>
    %broadcast_in_dim3A_137 = vector.shape_cast %reduce_min3A_136 : vector<32xi32> to vector<32x1xi32>
    %jit3A_138 = arith.constant 2147483647 : i32
    %broadcast_in_dim3A_139 = vector.broadcast %jit3A_138 : i32 to vector<32x16xi32>
    %select_n3A_140 = arith.select %eq3A_131, %get3A_24, %broadcast_in_dim3A_139 : vector<32x16xi1>, vector<32x16xi32>
    %reduce_min3A_141 = arith.constant dense<2147483647> : vector<32xi32>
    %reduce_min3A_142 = vector.multi_reduction <minsi>, %select_n3A_140, %reduce_min3A_141 [1] : vector<32x16xi32> to vector<32xi32>
    %broadcast_in_dim3A_143 = vector.shape_cast %reduce_min3A_142 : vector<32xi32> to vector<32x1xi32>
    %min3A_144 = arith.minsi %broadcast_in_dim3A_137, %broadcast_in_dim3A_143 : vector<32x1xi32>
    %eq3A_145 = arith.constant 2 : i32
    %eq3A_146 = vector.broadcast %eq3A_145 : i32 to vector<32x16xi32>
    %eq3A_147 = arith.cmpi eq, %iota3A_25, %eq3A_146 : vector<32x16xi32>
    %broadcast_in_dim3A_148 = vector.shape_cast %max3A_127 : vector<32x1xf32> to vector<32x1xf32>
    %broadcast_in_dim3A_149 = vector.broadcast %broadcast_in_dim3A_148 : vector<32x1xf32> to vector<32x16xf32>
    %select_n3A_150 = arith.select %eq3A_147, %broadcast_in_dim3A_149, %select_n3A_102 : vector<32x16xi1>, vector<32x16xf32>
    %eq3A_151 = arith.constant 2 : i32
    %eq3A_152 = vector.broadcast %eq3A_151 : i32 to vector<32x16xi32>
    %eq3A_153 = arith.cmpi eq, %iota3A_25, %eq3A_152 : vector<32x16xi32>
    %broadcast_in_dim3A_154 = vector.shape_cast %min3A_144 : vector<32x1xi32> to vector<32x1xi32>
    %broadcast_in_dim3A_155 = vector.broadcast %broadcast_in_dim3A_154 : vector<32x1xi32> to vector<32x16xi32>
    %select_n3A_156 = arith.select %eq3A_153, %broadcast_in_dim3A_155, %select_n3A_108 : vector<32x16xi1>, vector<32x16xi32>
    %eq3A_157 = vector.broadcast %min3A_144 : vector<32x1xi32> to vector<32x4096xi32>
    %eq3A_158 = arith.cmpi eq, %add3A_16, %eq3A_157 : vector<32x4096xi32>
    %and3A_159 = arith.andi %eq3A_129, %eq3A_158 : vector<32x4096xi1>
    %jit3A_160 = arith.constant -1.000000e+30 : f32
    %broadcast_in_dim3A_161 = vector.broadcast %jit3A_160 : f32 to vector<32x4096xf32>
    %select_n3A_162 = arith.select %and3A_159, %broadcast_in_dim3A_161, %select_n3A_114 : vector<32x4096xi1>, vector<32x4096xf32>
    %eq3A_163 = vector.broadcast %min3A_144 : vector<32x1xi32> to vector<32x16xi32>
    %eq3A_164 = arith.cmpi eq, %get3A_24, %eq3A_163 : vector<32x16xi32>
    %and3A_165 = arith.andi %eq3A_131, %eq3A_164 : vector<32x16xi1>
    %jit3A_166 = arith.constant -1.000000e+30 : f32
    %broadcast_in_dim3A_167 = vector.broadcast %jit3A_166 : f32 to vector<32x16xf32>
    %select_n3A_168 = arith.select %and3A_165, %broadcast_in_dim3A_167, %select_n3A_120 : vector<32x16xi1>, vector<32x16xf32>
    %reduce_max3A_169 = arith.constant dense<0xFF800000> : vector<32xf32>
    %reduce_max3A_170 = vector.multi_reduction <maximumf>, %select_n3A_162, %reduce_max3A_169 [1] : vector<32x4096xf32> to vector<32xf32>
    %broadcast_in_dim3A_171 = vector.shape_cast %reduce_max3A_170 : vector<32xf32> to vector<32x1xf32>
    %reduce_max3A_172 = arith.constant dense<0xFF800000> : vector<32xf32>
    %reduce_max3A_173 = vector.multi_reduction <maximumf>, %select_n3A_168, %reduce_max3A_172 [1] : vector<32x16xf32> to vector<32xf32>
    %broadcast_in_dim3A_174 = vector.shape_cast %reduce_max3A_173 : vector<32xf32> to vector<32x1xf32>
    %max3A_175 = arith.maximumf %broadcast_in_dim3A_171, %broadcast_in_dim3A_174 : vector<32x1xf32>
    %eq3A_176 = vector.broadcast %max3A_175 : vector<32x1xf32> to vector<32x4096xf32>
    %eq3A_177 = arith.cmpf oeq, %select_n3A_162, %eq3A_176 : vector<32x4096xf32>
    %eq3A_178 = vector.broadcast %max3A_175 : vector<32x1xf32> to vector<32x16xf32>
    %eq3A_179 = arith.cmpf oeq, %select_n3A_168, %eq3A_178 : vector<32x16xf32>
    %jit3A_180 = arith.constant 2147483647 : i32
    %broadcast_in_dim3A_181 = vector.broadcast %jit3A_180 : i32 to vector<32x4096xi32>
    %select_n3A_182 = arith.select %eq3A_177, %add3A_16, %broadcast_in_dim3A_181 : vector<32x4096xi1>, vector<32x4096xi32>
    %reduce_min3A_183 = arith.constant dense<2147483647> : vector<32xi32>
    %reduce_min3A_184 = vector.multi_reduction <minsi>, %select_n3A_182, %reduce_min3A_183 [1] : vector<32x4096xi32> to vector<32xi32>
    %broadcast_in_dim3A_185 = vector.shape_cast %reduce_min3A_184 : vector<32xi32> to vector<32x1xi32>
    %jit3A_186 = arith.constant 2147483647 : i32
    %broadcast_in_dim3A_187 = vector.broadcast %jit3A_186 : i32 to vector<32x16xi32>
    %select_n3A_188 = arith.select %eq3A_179, %get3A_24, %broadcast_in_dim3A_187 : vector<32x16xi1>, vector<32x16xi32>
    %reduce_min3A_189 = arith.constant dense<2147483647> : vector<32xi32>
    %reduce_min3A_190 = vector.multi_reduction <minsi>, %select_n3A_188, %reduce_min3A_189 [1] : vector<32x16xi32> to vector<32xi32>
    %broadcast_in_dim3A_191 = vector.shape_cast %reduce_min3A_190 : vector<32xi32> to vector<32x1xi32>
    %min3A_192 = arith.minsi %broadcast_in_dim3A_185, %broadcast_in_dim3A_191 : vector<32x1xi32>
    %eq3A_193 = arith.constant 3 : i32
    %eq3A_194 = vector.broadcast %eq3A_193 : i32 to vector<32x16xi32>
    %eq3A_195 = arith.cmpi eq, %iota3A_25, %eq3A_194 : vector<32x16xi32>
    %broadcast_in_dim3A_196 = vector.shape_cast %max3A_175 : vector<32x1xf32> to vector<32x1xf32>
    %broadcast_in_dim3A_197 = vector.broadcast %broadcast_in_dim3A_196 : vector<32x1xf32> to vector<32x16xf32>
    %select_n3A_198 = arith.select %eq3A_195, %broadcast_in_dim3A_197, %select_n3A_150 : vector<32x16xi1>, vector<32x16xf32>
    %eq3A_199 = arith.constant 3 : i32
    %eq3A_200 = vector.broadcast %eq3A_199 : i32 to vector<32x16xi32>
    %eq3A_201 = arith.cmpi eq, %iota3A_25, %eq3A_200 : vector<32x16xi32>
    %broadcast_in_dim3A_202 = vector.shape_cast %min3A_192 : vector<32x1xi32> to vector<32x1xi32>
    %broadcast_in_dim3A_203 = vector.broadcast %broadcast_in_dim3A_202 : vector<32x1xi32> to vector<32x16xi32>
    %select_n3A_204 = arith.select %eq3A_201, %broadcast_in_dim3A_203, %select_n3A_156 : vector<32x16xi1>, vector<32x16xi32>
    %eq3A_205 = vector.broadcast %min3A_192 : vector<32x1xi32> to vector<32x4096xi32>
    %eq3A_206 = arith.cmpi eq, %add3A_16, %eq3A_205 : vector<32x4096xi32>
    %and3A_207 = arith.andi %eq3A_177, %eq3A_206 : vector<32x4096xi1>
    %jit3A_208 = arith.constant -1.000000e+30 : f32
    %broadcast_in_dim3A_209 = vector.broadcast %jit3A_208 : f32 to vector<32x4096xf32>
    %select_n3A_210 = arith.select %and3A_207, %broadcast_in_dim3A_209, %select_n3A_162 : vector<32x4096xi1>, vector<32x4096xf32>
    %eq3A_211 = vector.broadcast %min3A_192 : vector<32x1xi32> to vector<32x16xi32>
    %eq3A_212 = arith.cmpi eq, %get3A_24, %eq3A_211 : vector<32x16xi32>
    %and3A_213 = arith.andi %eq3A_179, %eq3A_212 : vector<32x16xi1>
    %jit3A_214 = arith.constant -1.000000e+30 : f32
    %broadcast_in_dim3A_215 = vector.broadcast %jit3A_214 : f32 to vector<32x16xf32>
    %select_n3A_216 = arith.select %and3A_213, %broadcast_in_dim3A_215, %select_n3A_168 : vector<32x16xi1>, vector<32x16xf32>
    %reduce_max3A_217 = arith.constant dense<0xFF800000> : vector<32xf32>
    %reduce_max3A_218 = vector.multi_reduction <maximumf>, %select_n3A_210, %reduce_max3A_217 [1] : vector<32x4096xf32> to vector<32xf32>
    %broadcast_in_dim3A_219 = vector.shape_cast %reduce_max3A_218 : vector<32xf32> to vector<32x1xf32>
    %reduce_max3A_220 = arith.constant dense<0xFF800000> : vector<32xf32>
    %reduce_max3A_221 = vector.multi_reduction <maximumf>, %select_n3A_216, %reduce_max3A_220 [1] : vector<32x16xf32> to vector<32xf32>
    %broadcast_in_dim3A_222 = vector.shape_cast %reduce_max3A_221 : vector<32xf32> to vector<32x1xf32>
    %max3A_223 = arith.maximumf %broadcast_in_dim3A_219, %broadcast_in_dim3A_222 : vector<32x1xf32>
    %eq3A_224 = vector.broadcast %max3A_223 : vector<32x1xf32> to vector<32x4096xf32>
    %eq3A_225 = arith.cmpf oeq, %select_n3A_210, %eq3A_224 : vector<32x4096xf32>
    %eq3A_226 = vector.broadcast %max3A_223 : vector<32x1xf32> to vector<32x16xf32>
    %eq3A_227 = arith.cmpf oeq, %select_n3A_216, %eq3A_226 : vector<32x16xf32>
    %jit3A_228 = arith.constant 2147483647 : i32
    %broadcast_in_dim3A_229 = vector.broadcast %jit3A_228 : i32 to vector<32x4096xi32>
    %select_n3A_230 = arith.select %eq3A_225, %add3A_16, %broadcast_in_dim3A_229 : vector<32x4096xi1>, vector<32x4096xi32>
    %reduce_min3A_231 = arith.constant dense<2147483647> : vector<32xi32>
    %reduce_min3A_232 = vector.multi_reduction <minsi>, %select_n3A_230, %reduce_min3A_231 [1] : vector<32x4096xi32> to vector<32xi32>
    %broadcast_in_dim3A_233 = vector.shape_cast %reduce_min3A_232 : vector<32xi32> to vector<32x1xi32>
    %jit3A_234 = arith.constant 2147483647 : i32
    %broadcast_in_dim3A_235 = vector.broadcast %jit3A_234 : i32 to vector<32x16xi32>
    %select_n3A_236 = arith.select %eq3A_227, %get3A_24, %broadcast_in_dim3A_235 : vector<32x16xi1>, vector<32x16xi32>
    %reduce_min3A_237 = arith.constant dense<2147483647> : vector<32xi32>
    %reduce_min3A_238 = vector.multi_reduction <minsi>, %select_n3A_236, %reduce_min3A_237 [1] : vector<32x16xi32> to vector<32xi32>
    %broadcast_in_dim3A_239 = vector.shape_cast %reduce_min3A_238 : vector<32xi32> to vector<32x1xi32>
    %min3A_240 = arith.minsi %broadcast_in_dim3A_233, %broadcast_in_dim3A_239 : vector<32x1xi32>
    %eq3A_241 = arith.constant 4 : i32
    %eq3A_242 = vector.broadcast %eq3A_241 : i32 to vector<32x16xi32>
    %eq3A_243 = arith.cmpi eq, %iota3A_25, %eq3A_242 : vector<32x16xi32>
    %broadcast_in_dim3A_244 = vector.shape_cast %max3A_223 : vector<32x1xf32> to vector<32x1xf32>
    %broadcast_in_dim3A_245 = vector.broadcast %broadcast_in_dim3A_244 : vector<32x1xf32> to vector<32x16xf32>
    %select_n3A_246 = arith.select %eq3A_243, %broadcast_in_dim3A_245, %select_n3A_198 : vector<32x16xi1>, vector<32x16xf32>
    %eq3A_247 = arith.constant 4 : i32
    %eq3A_248 = vector.broadcast %eq3A_247 : i32 to vector<32x16xi32>
    %eq3A_249 = arith.cmpi eq, %iota3A_25, %eq3A_248 : vector<32x16xi32>
    %broadcast_in_dim3A_250 = vector.shape_cast %min3A_240 : vector<32x1xi32> to vector<32x1xi32>
    %broadcast_in_dim3A_251 = vector.broadcast %broadcast_in_dim3A_250 : vector<32x1xi32> to vector<32x16xi32>
    %select_n3A_252 = arith.select %eq3A_249, %broadcast_in_dim3A_251, %select_n3A_204 : vector<32x16xi1>, vector<32x16xi32>
    %eq3A_253 = vector.broadcast %min3A_240 : vector<32x1xi32> to vector<32x4096xi32>
    %eq3A_254 = arith.cmpi eq, %add3A_16, %eq3A_253 : vector<32x4096xi32>
    %and3A_255 = arith.andi %eq3A_225, %eq3A_254 : vector<32x4096xi1>
    %jit3A_256 = arith.constant -1.000000e+30 : f32
    %broadcast_in_dim3A_257 = vector.broadcast %jit3A_256 : f32 to vector<32x4096xf32>
    %select_n3A_258 = arith.select %and3A_255, %broadcast_in_dim3A_257, %select_n3A_210 : vector<32x4096xi1>, vector<32x4096xf32>
    %eq3A_259 = vector.broadcast %min3A_240 : vector<32x1xi32> to vector<32x16xi32>
    %eq3A_260 = arith.cmpi eq, %get3A_24, %eq3A_259 : vector<32x16xi32>
    %and3A_261 = arith.andi %eq3A_227, %eq3A_260 : vector<32x16xi1>
    %jit3A_262 = arith.constant -1.000000e+30 : f32
    %broadcast_in_dim3A_263 = vector.broadcast %jit3A_262 : f32 to vector<32x16xf32>
    %select_n3A_264 = arith.select %and3A_261, %broadcast_in_dim3A_263, %select_n3A_216 : vector<32x16xi1>, vector<32x16xf32>
    %reduce_max3A_265 = arith.constant dense<0xFF800000> : vector<32xf32>
    %reduce_max3A_266 = vector.multi_reduction <maximumf>, %select_n3A_258, %reduce_max3A_265 [1] : vector<32x4096xf32> to vector<32xf32>
    %broadcast_in_dim3A_267 = vector.shape_cast %reduce_max3A_266 : vector<32xf32> to vector<32x1xf32>
    %reduce_max3A_268 = arith.constant dense<0xFF800000> : vector<32xf32>
    %reduce_max3A_269 = vector.multi_reduction <maximumf>, %select_n3A_264, %reduce_max3A_268 [1] : vector<32x16xf32> to vector<32xf32>
    %broadcast_in_dim3A_270 = vector.shape_cast %reduce_max3A_269 : vector<32xf32> to vector<32x1xf32>
    %max3A_271 = arith.maximumf %broadcast_in_dim3A_267, %broadcast_in_dim3A_270 : vector<32x1xf32>
    %eq3A_272 = vector.broadcast %max3A_271 : vector<32x1xf32> to vector<32x4096xf32>
    %eq3A_273 = arith.cmpf oeq, %select_n3A_258, %eq3A_272 : vector<32x4096xf32>
    %eq3A_274 = vector.broadcast %max3A_271 : vector<32x1xf32> to vector<32x16xf32>
    %eq3A_275 = arith.cmpf oeq, %select_n3A_264, %eq3A_274 : vector<32x16xf32>
    %jit3A_276 = arith.constant 2147483647 : i32
    %broadcast_in_dim3A_277 = vector.broadcast %jit3A_276 : i32 to vector<32x4096xi32>
    %select_n3A_278 = arith.select %eq3A_273, %add3A_16, %broadcast_in_dim3A_277 : vector<32x4096xi1>, vector<32x4096xi32>
    %reduce_min3A_279 = arith.constant dense<2147483647> : vector<32xi32>
    %reduce_min3A_280 = vector.multi_reduction <minsi>, %select_n3A_278, %reduce_min3A_279 [1] : vector<32x4096xi32> to vector<32xi32>
    %broadcast_in_dim3A_281 = vector.shape_cast %reduce_min3A_280 : vector<32xi32> to vector<32x1xi32>
    %jit3A_282 = arith.constant 2147483647 : i32
    %broadcast_in_dim3A_283 = vector.broadcast %jit3A_282 : i32 to vector<32x16xi32>
    %select_n3A_284 = arith.select %eq3A_275, %get3A_24, %broadcast_in_dim3A_283 : vector<32x16xi1>, vector<32x16xi32>
    %reduce_min3A_285 = arith.constant dense<2147483647> : vector<32xi32>
    %reduce_min3A_286 = vector.multi_reduction <minsi>, %select_n3A_284, %reduce_min3A_285 [1] : vector<32x16xi32> to vector<32xi32>
    %broadcast_in_dim3A_287 = vector.shape_cast %reduce_min3A_286 : vector<32xi32> to vector<32x1xi32>
    %min3A_288 = arith.minsi %broadcast_in_dim3A_281, %broadcast_in_dim3A_287 : vector<32x1xi32>
    %eq3A_289 = arith.constant 5 : i32
    %eq3A_290 = vector.broadcast %eq3A_289 : i32 to vector<32x16xi32>
    %eq3A_291 = arith.cmpi eq, %iota3A_25, %eq3A_290 : vector<32x16xi32>
    %broadcast_in_dim3A_292 = vector.shape_cast %max3A_271 : vector<32x1xf32> to vector<32x1xf32>
    %broadcast_in_dim3A_293 = vector.broadcast %broadcast_in_dim3A_292 : vector<32x1xf32> to vector<32x16xf32>
    %select_n3A_294 = arith.select %eq3A_291, %broadcast_in_dim3A_293, %select_n3A_246 : vector<32x16xi1>, vector<32x16xf32>
    %eq3A_295 = arith.constant 5 : i32
    %eq3A_296 = vector.broadcast %eq3A_295 : i32 to vector<32x16xi32>
    %eq3A_297 = arith.cmpi eq, %iota3A_25, %eq3A_296 : vector<32x16xi32>
    %broadcast_in_dim3A_298 = vector.shape_cast %min3A_288 : vector<32x1xi32> to vector<32x1xi32>
    %broadcast_in_dim3A_299 = vector.broadcast %broadcast_in_dim3A_298 : vector<32x1xi32> to vector<32x16xi32>
    %select_n3A_300 = arith.select %eq3A_297, %broadcast_in_dim3A_299, %select_n3A_252 : vector<32x16xi1>, vector<32x16xi32>
    %eq3A_301 = vector.broadcast %min3A_288 : vector<32x1xi32> to vector<32x4096xi32>
    %eq3A_302 = arith.cmpi eq, %add3A_16, %eq3A_301 : vector<32x4096xi32>
    %and3A_303 = arith.andi %eq3A_273, %eq3A_302 : vector<32x4096xi1>
    %jit3A_304 = arith.constant -1.000000e+30 : f32
    %broadcast_in_dim3A_305 = vector.broadcast %jit3A_304 : f32 to vector<32x4096xf32>
    %select_n3A_306 = arith.select %and3A_303, %broadcast_in_dim3A_305, %select_n3A_258 : vector<32x4096xi1>, vector<32x4096xf32>
    %eq3A_307 = vector.broadcast %min3A_288 : vector<32x1xi32> to vector<32x16xi32>
    %eq3A_308 = arith.cmpi eq, %get3A_24, %eq3A_307 : vector<32x16xi32>
    %and3A_309 = arith.andi %eq3A_275, %eq3A_308 : vector<32x16xi1>
    %jit3A_310 = arith.constant -1.000000e+30 : f32
    %broadcast_in_dim3A_311 = vector.broadcast %jit3A_310 : f32 to vector<32x16xf32>
    %select_n3A_312 = arith.select %and3A_309, %broadcast_in_dim3A_311, %select_n3A_264 : vector<32x16xi1>, vector<32x16xf32>
    %reduce_max3A_313 = arith.constant dense<0xFF800000> : vector<32xf32>
    %reduce_max3A_314 = vector.multi_reduction <maximumf>, %select_n3A_306, %reduce_max3A_313 [1] : vector<32x4096xf32> to vector<32xf32>
    %broadcast_in_dim3A_315 = vector.shape_cast %reduce_max3A_314 : vector<32xf32> to vector<32x1xf32>
    %reduce_max3A_316 = arith.constant dense<0xFF800000> : vector<32xf32>
    %reduce_max3A_317 = vector.multi_reduction <maximumf>, %select_n3A_312, %reduce_max3A_316 [1] : vector<32x16xf32> to vector<32xf32>
    %broadcast_in_dim3A_318 = vector.shape_cast %reduce_max3A_317 : vector<32xf32> to vector<32x1xf32>
    %max3A_319 = arith.maximumf %broadcast_in_dim3A_315, %broadcast_in_dim3A_318 : vector<32x1xf32>
    %eq3A_320 = vector.broadcast %max3A_319 : vector<32x1xf32> to vector<32x4096xf32>
    %eq3A_321 = arith.cmpf oeq, %select_n3A_306, %eq3A_320 : vector<32x4096xf32>
    %eq3A_322 = vector.broadcast %max3A_319 : vector<32x1xf32> to vector<32x16xf32>
    %eq3A_323 = arith.cmpf oeq, %select_n3A_312, %eq3A_322 : vector<32x16xf32>
    %jit3A_324 = arith.constant 2147483647 : i32
    %broadcast_in_dim3A_325 = vector.broadcast %jit3A_324 : i32 to vector<32x4096xi32>
    %select_n3A_326 = arith.select %eq3A_321, %add3A_16, %broadcast_in_dim3A_325 : vector<32x4096xi1>, vector<32x4096xi32>
    %reduce_min3A_327 = arith.constant dense<2147483647> : vector<32xi32>
    %reduce_min3A_328 = vector.multi_reduction <minsi>, %select_n3A_326, %reduce_min3A_327 [1] : vector<32x4096xi32> to vector<32xi32>
    %broadcast_in_dim3A_329 = vector.shape_cast %reduce_min3A_328 : vector<32xi32> to vector<32x1xi32>
    %jit3A_330 = arith.constant 2147483647 : i32
    %broadcast_in_dim3A_331 = vector.broadcast %jit3A_330 : i32 to vector<32x16xi32>
    %select_n3A_332 = arith.select %eq3A_323, %get3A_24, %broadcast_in_dim3A_331 : vector<32x16xi1>, vector<32x16xi32>
    %reduce_min3A_333 = arith.constant dense<2147483647> : vector<32xi32>
    %reduce_min3A_334 = vector.multi_reduction <minsi>, %select_n3A_332, %reduce_min3A_333 [1] : vector<32x16xi32> to vector<32xi32>
    %broadcast_in_dim3A_335 = vector.shape_cast %reduce_min3A_334 : vector<32xi32> to vector<32x1xi32>
    %min3A_336 = arith.minsi %broadcast_in_dim3A_329, %broadcast_in_dim3A_335 : vector<32x1xi32>
    %eq3A_337 = arith.constant 6 : i32
    %eq3A_338 = vector.broadcast %eq3A_337 : i32 to vector<32x16xi32>
    %eq3A_339 = arith.cmpi eq, %iota3A_25, %eq3A_338 : vector<32x16xi32>
    %broadcast_in_dim3A_340 = vector.shape_cast %max3A_319 : vector<32x1xf32> to vector<32x1xf32>
    %broadcast_in_dim3A_341 = vector.broadcast %broadcast_in_dim3A_340 : vector<32x1xf32> to vector<32x16xf32>
    %select_n3A_342 = arith.select %eq3A_339, %broadcast_in_dim3A_341, %select_n3A_294 : vector<32x16xi1>, vector<32x16xf32>
    %eq3A_343 = arith.constant 6 : i32
    %eq3A_344 = vector.broadcast %eq3A_343 : i32 to vector<32x16xi32>
    %eq3A_345 = arith.cmpi eq, %iota3A_25, %eq3A_344 : vector<32x16xi32>
    %broadcast_in_dim3A_346 = vector.shape_cast %min3A_336 : vector<32x1xi32> to vector<32x1xi32>
    %broadcast_in_dim3A_347 = vector.broadcast %broadcast_in_dim3A_346 : vector<32x1xi32> to vector<32x16xi32>
    %select_n3A_348 = arith.select %eq3A_345, %broadcast_in_dim3A_347, %select_n3A_300 : vector<32x16xi1>, vector<32x16xi32>
    %eq3A_349 = vector.broadcast %min3A_336 : vector<32x1xi32> to vector<32x4096xi32>
    %eq3A_350 = arith.cmpi eq, %add3A_16, %eq3A_349 : vector<32x4096xi32>
    %and3A_351 = arith.andi %eq3A_321, %eq3A_350 : vector<32x4096xi1>
    %jit3A_352 = arith.constant -1.000000e+30 : f32
    %broadcast_in_dim3A_353 = vector.broadcast %jit3A_352 : f32 to vector<32x4096xf32>
    %select_n3A_354 = arith.select %and3A_351, %broadcast_in_dim3A_353, %select_n3A_306 : vector<32x4096xi1>, vector<32x4096xf32>
    %eq3A_355 = vector.broadcast %min3A_336 : vector<32x1xi32> to vector<32x16xi32>
    %eq3A_356 = arith.cmpi eq, %get3A_24, %eq3A_355 : vector<32x16xi32>
    %and3A_357 = arith.andi %eq3A_323, %eq3A_356 : vector<32x16xi1>
    %jit3A_358 = arith.constant -1.000000e+30 : f32
    %broadcast_in_dim3A_359 = vector.broadcast %jit3A_358 : f32 to vector<32x16xf32>
    %select_n3A_360 = arith.select %and3A_357, %broadcast_in_dim3A_359, %select_n3A_312 : vector<32x16xi1>, vector<32x16xf32>
    %reduce_max3A_361 = arith.constant dense<0xFF800000> : vector<32xf32>
    %reduce_max3A_362 = vector.multi_reduction <maximumf>, %select_n3A_354, %reduce_max3A_361 [1] : vector<32x4096xf32> to vector<32xf32>
    %broadcast_in_dim3A_363 = vector.shape_cast %reduce_max3A_362 : vector<32xf32> to vector<32x1xf32>
    %reduce_max3A_364 = arith.constant dense<0xFF800000> : vector<32xf32>
    %reduce_max3A_365 = vector.multi_reduction <maximumf>, %select_n3A_360, %reduce_max3A_364 [1] : vector<32x16xf32> to vector<32xf32>
    %broadcast_in_dim3A_366 = vector.shape_cast %reduce_max3A_365 : vector<32xf32> to vector<32x1xf32>
    %max3A_367 = arith.maximumf %broadcast_in_dim3A_363, %broadcast_in_dim3A_366 : vector<32x1xf32>
    %eq3A_368 = vector.broadcast %max3A_367 : vector<32x1xf32> to vector<32x4096xf32>
    %eq3A_369 = arith.cmpf oeq, %select_n3A_354, %eq3A_368 : vector<32x4096xf32>
    %eq3A_370 = vector.broadcast %max3A_367 : vector<32x1xf32> to vector<32x16xf32>
    %eq3A_371 = arith.cmpf oeq, %select_n3A_360, %eq3A_370 : vector<32x16xf32>
    %jit3A_372 = arith.constant 2147483647 : i32
    %broadcast_in_dim3A_373 = vector.broadcast %jit3A_372 : i32 to vector<32x4096xi32>
    %select_n3A_374 = arith.select %eq3A_369, %add3A_16, %broadcast_in_dim3A_373 : vector<32x4096xi1>, vector<32x4096xi32>
    %reduce_min3A_375 = arith.constant dense<2147483647> : vector<32xi32>
    %reduce_min3A_376 = vector.multi_reduction <minsi>, %select_n3A_374, %reduce_min3A_375 [1] : vector<32x4096xi32> to vector<32xi32>
    %broadcast_in_dim3A_377 = vector.shape_cast %reduce_min3A_376 : vector<32xi32> to vector<32x1xi32>
    %jit3A_378 = arith.constant 2147483647 : i32
    %broadcast_in_dim3A_379 = vector.broadcast %jit3A_378 : i32 to vector<32x16xi32>
    %select_n3A_380 = arith.select %eq3A_371, %get3A_24, %broadcast_in_dim3A_379 : vector<32x16xi1>, vector<32x16xi32>
    %reduce_min3A_381 = arith.constant dense<2147483647> : vector<32xi32>
    %reduce_min3A_382 = vector.multi_reduction <minsi>, %select_n3A_380, %reduce_min3A_381 [1] : vector<32x16xi32> to vector<32xi32>
    %broadcast_in_dim3A_383 = vector.shape_cast %reduce_min3A_382 : vector<32xi32> to vector<32x1xi32>
    %min3A_384 = arith.minsi %broadcast_in_dim3A_377, %broadcast_in_dim3A_383 : vector<32x1xi32>
    %eq3A_385 = arith.constant 7 : i32
    %eq3A_386 = vector.broadcast %eq3A_385 : i32 to vector<32x16xi32>
    %eq3A_387 = arith.cmpi eq, %iota3A_25, %eq3A_386 : vector<32x16xi32>
    %broadcast_in_dim3A_388 = vector.shape_cast %max3A_367 : vector<32x1xf32> to vector<32x1xf32>
    %broadcast_in_dim3A_389 = vector.broadcast %broadcast_in_dim3A_388 : vector<32x1xf32> to vector<32x16xf32>
    %select_n3A_390 = arith.select %eq3A_387, %broadcast_in_dim3A_389, %select_n3A_342 : vector<32x16xi1>, vector<32x16xf32>
    %eq3A_391 = arith.constant 7 : i32
    %eq3A_392 = vector.broadcast %eq3A_391 : i32 to vector<32x16xi32>
    %eq3A_393 = arith.cmpi eq, %iota3A_25, %eq3A_392 : vector<32x16xi32>
    %broadcast_in_dim3A_394 = vector.shape_cast %min3A_384 : vector<32x1xi32> to vector<32x1xi32>
    %broadcast_in_dim3A_395 = vector.broadcast %broadcast_in_dim3A_394 : vector<32x1xi32> to vector<32x16xi32>
    %select_n3A_396 = arith.select %eq3A_393, %broadcast_in_dim3A_395, %select_n3A_348 : vector<32x16xi1>, vector<32x16xi32>
    %eq3A_397 = vector.broadcast %min3A_384 : vector<32x1xi32> to vector<32x4096xi32>
    %eq3A_398 = arith.cmpi eq, %add3A_16, %eq3A_397 : vector<32x4096xi32>
    %and3A_399 = arith.andi %eq3A_369, %eq3A_398 : vector<32x4096xi1>
    %jit3A_400 = arith.constant -1.000000e+30 : f32
    %broadcast_in_dim3A_401 = vector.broadcast %jit3A_400 : f32 to vector<32x4096xf32>
    %select_n3A_402 = arith.select %and3A_399, %broadcast_in_dim3A_401, %select_n3A_354 : vector<32x4096xi1>, vector<32x4096xf32>
    %eq3A_403 = vector.broadcast %min3A_384 : vector<32x1xi32> to vector<32x16xi32>
    %eq3A_404 = arith.cmpi eq, %get3A_24, %eq3A_403 : vector<32x16xi32>
    %and3A_405 = arith.andi %eq3A_371, %eq3A_404 : vector<32x16xi1>
    %jit3A_406 = arith.constant -1.000000e+30 : f32
    %broadcast_in_dim3A_407 = vector.broadcast %jit3A_406 : f32 to vector<32x16xf32>
    %select_n3A_408 = arith.select %and3A_405, %broadcast_in_dim3A_407, %select_n3A_360 : vector<32x16xi1>, vector<32x16xf32>
    %reduce_max3A_409 = arith.constant dense<0xFF800000> : vector<32xf32>
    %reduce_max3A_410 = vector.multi_reduction <maximumf>, %select_n3A_402, %reduce_max3A_409 [1] : vector<32x4096xf32> to vector<32xf32>
    %broadcast_in_dim3A_411 = vector.shape_cast %reduce_max3A_410 : vector<32xf32> to vector<32x1xf32>
    %reduce_max3A_412 = arith.constant dense<0xFF800000> : vector<32xf32>
    %reduce_max3A_413 = vector.multi_reduction <maximumf>, %select_n3A_408, %reduce_max3A_412 [1] : vector<32x16xf32> to vector<32xf32>
    %broadcast_in_dim3A_414 = vector.shape_cast %reduce_max3A_413 : vector<32xf32> to vector<32x1xf32>
    %max3A_415 = arith.maximumf %broadcast_in_dim3A_411, %broadcast_in_dim3A_414 : vector<32x1xf32>
    %eq3A_416 = vector.broadcast %max3A_415 : vector<32x1xf32> to vector<32x4096xf32>
    %eq3A_417 = arith.cmpf oeq, %select_n3A_402, %eq3A_416 : vector<32x4096xf32>
    %eq3A_418 = vector.broadcast %max3A_415 : vector<32x1xf32> to vector<32x16xf32>
    %eq3A_419 = arith.cmpf oeq, %select_n3A_408, %eq3A_418 : vector<32x16xf32>
    %jit3A_420 = arith.constant 2147483647 : i32
    %broadcast_in_dim3A_421 = vector.broadcast %jit3A_420 : i32 to vector<32x4096xi32>
    %select_n3A_422 = arith.select %eq3A_417, %add3A_16, %broadcast_in_dim3A_421 : vector<32x4096xi1>, vector<32x4096xi32>
    %reduce_min3A_423 = arith.constant dense<2147483647> : vector<32xi32>
    %reduce_min3A_424 = vector.multi_reduction <minsi>, %select_n3A_422, %reduce_min3A_423 [1] : vector<32x4096xi32> to vector<32xi32>
    %broadcast_in_dim3A_425 = vector.shape_cast %reduce_min3A_424 : vector<32xi32> to vector<32x1xi32>
    %jit3A_426 = arith.constant 2147483647 : i32
    %broadcast_in_dim3A_427 = vector.broadcast %jit3A_426 : i32 to vector<32x16xi32>
    %select_n3A_428 = arith.select %eq3A_419, %get3A_24, %broadcast_in_dim3A_427 : vector<32x16xi1>, vector<32x16xi32>
    %reduce_min3A_429 = arith.constant dense<2147483647> : vector<32xi32>
    %reduce_min3A_430 = vector.multi_reduction <minsi>, %select_n3A_428, %reduce_min3A_429 [1] : vector<32x16xi32> to vector<32xi32>
    %broadcast_in_dim3A_431 = vector.shape_cast %reduce_min3A_430 : vector<32xi32> to vector<32x1xi32>
    %min3A_432 = arith.minsi %broadcast_in_dim3A_425, %broadcast_in_dim3A_431 : vector<32x1xi32>
    %eq3A_433 = arith.constant 8 : i32
    %eq3A_434 = vector.broadcast %eq3A_433 : i32 to vector<32x16xi32>
    %eq3A_435 = arith.cmpi eq, %iota3A_25, %eq3A_434 : vector<32x16xi32>
    %broadcast_in_dim3A_436 = vector.shape_cast %max3A_415 : vector<32x1xf32> to vector<32x1xf32>
    %broadcast_in_dim3A_437 = vector.broadcast %broadcast_in_dim3A_436 : vector<32x1xf32> to vector<32x16xf32>
    %select_n3A_438 = arith.select %eq3A_435, %broadcast_in_dim3A_437, %select_n3A_390 : vector<32x16xi1>, vector<32x16xf32>
    %eq3A_439 = arith.constant 8 : i32
    %eq3A_440 = vector.broadcast %eq3A_439 : i32 to vector<32x16xi32>
    %eq3A_441 = arith.cmpi eq, %iota3A_25, %eq3A_440 : vector<32x16xi32>
    %broadcast_in_dim3A_442 = vector.shape_cast %min3A_432 : vector<32x1xi32> to vector<32x1xi32>
    %broadcast_in_dim3A_443 = vector.broadcast %broadcast_in_dim3A_442 : vector<32x1xi32> to vector<32x16xi32>
    %select_n3A_444 = arith.select %eq3A_441, %broadcast_in_dim3A_443, %select_n3A_396 : vector<32x16xi1>, vector<32x16xi32>
    %eq3A_445 = vector.broadcast %min3A_432 : vector<32x1xi32> to vector<32x4096xi32>
    %eq3A_446 = arith.cmpi eq, %add3A_16, %eq3A_445 : vector<32x4096xi32>
    %and3A_447 = arith.andi %eq3A_417, %eq3A_446 : vector<32x4096xi1>
    %jit3A_448 = arith.constant -1.000000e+30 : f32
    %broadcast_in_dim3A_449 = vector.broadcast %jit3A_448 : f32 to vector<32x4096xf32>
    %select_n3A_450 = arith.select %and3A_447, %broadcast_in_dim3A_449, %select_n3A_402 : vector<32x4096xi1>, vector<32x4096xf32>
    %eq3A_451 = vector.broadcast %min3A_432 : vector<32x1xi32> to vector<32x16xi32>
    %eq3A_452 = arith.cmpi eq, %get3A_24, %eq3A_451 : vector<32x16xi32>
    %and3A_453 = arith.andi %eq3A_419, %eq3A_452 : vector<32x16xi1>
    %jit3A_454 = arith.constant -1.000000e+30 : f32
    %broadcast_in_dim3A_455 = vector.broadcast %jit3A_454 : f32 to vector<32x16xf32>
    %select_n3A_456 = arith.select %and3A_453, %broadcast_in_dim3A_455, %select_n3A_408 : vector<32x16xi1>, vector<32x16xf32>
    %reduce_max3A_457 = arith.constant dense<0xFF800000> : vector<32xf32>
    %reduce_max3A_458 = vector.multi_reduction <maximumf>, %select_n3A_450, %reduce_max3A_457 [1] : vector<32x4096xf32> to vector<32xf32>
    %broadcast_in_dim3A_459 = vector.shape_cast %reduce_max3A_458 : vector<32xf32> to vector<32x1xf32>
    %reduce_max3A_460 = arith.constant dense<0xFF800000> : vector<32xf32>
    %reduce_max3A_461 = vector.multi_reduction <maximumf>, %select_n3A_456, %reduce_max3A_460 [1] : vector<32x16xf32> to vector<32xf32>
    %broadcast_in_dim3A_462 = vector.shape_cast %reduce_max3A_461 : vector<32xf32> to vector<32x1xf32>
    %max3A_463 = arith.maximumf %broadcast_in_dim3A_459, %broadcast_in_dim3A_462 : vector<32x1xf32>
    %eq3A_464 = vector.broadcast %max3A_463 : vector<32x1xf32> to vector<32x4096xf32>
    %eq3A_465 = arith.cmpf oeq, %select_n3A_450, %eq3A_464 : vector<32x4096xf32>
    %eq3A_466 = vector.broadcast %max3A_463 : vector<32x1xf32> to vector<32x16xf32>
    %eq3A_467 = arith.cmpf oeq, %select_n3A_456, %eq3A_466 : vector<32x16xf32>
    %jit3A_468 = arith.constant 2147483647 : i32
    %broadcast_in_dim3A_469 = vector.broadcast %jit3A_468 : i32 to vector<32x4096xi32>
    %select_n3A_470 = arith.select %eq3A_465, %add3A_16, %broadcast_in_dim3A_469 : vector<32x4096xi1>, vector<32x4096xi32>
    %reduce_min3A_471 = arith.constant dense<2147483647> : vector<32xi32>
    %reduce_min3A_472 = vector.multi_reduction <minsi>, %select_n3A_470, %reduce_min3A_471 [1] : vector<32x4096xi32> to vector<32xi32>
    %broadcast_in_dim3A_473 = vector.shape_cast %reduce_min3A_472 : vector<32xi32> to vector<32x1xi32>
    %jit3A_474 = arith.constant 2147483647 : i32
    %broadcast_in_dim3A_475 = vector.broadcast %jit3A_474 : i32 to vector<32x16xi32>
    %select_n3A_476 = arith.select %eq3A_467, %get3A_24, %broadcast_in_dim3A_475 : vector<32x16xi1>, vector<32x16xi32>
    %reduce_min3A_477 = arith.constant dense<2147483647> : vector<32xi32>
    %reduce_min3A_478 = vector.multi_reduction <minsi>, %select_n3A_476, %reduce_min3A_477 [1] : vector<32x16xi32> to vector<32xi32>
    %broadcast_in_dim3A_479 = vector.shape_cast %reduce_min3A_478 : vector<32xi32> to vector<32x1xi32>
    %min3A_480 = arith.minsi %broadcast_in_dim3A_473, %broadcast_in_dim3A_479 : vector<32x1xi32>
    %eq3A_481 = arith.constant 9 : i32
    %eq3A_482 = vector.broadcast %eq3A_481 : i32 to vector<32x16xi32>
    %eq3A_483 = arith.cmpi eq, %iota3A_25, %eq3A_482 : vector<32x16xi32>
    %broadcast_in_dim3A_484 = vector.shape_cast %max3A_463 : vector<32x1xf32> to vector<32x1xf32>
    %broadcast_in_dim3A_485 = vector.broadcast %broadcast_in_dim3A_484 : vector<32x1xf32> to vector<32x16xf32>
    %select_n3A_486 = arith.select %eq3A_483, %broadcast_in_dim3A_485, %select_n3A_438 : vector<32x16xi1>, vector<32x16xf32>
    %eq3A_487 = arith.constant 9 : i32
    %eq3A_488 = vector.broadcast %eq3A_487 : i32 to vector<32x16xi32>
    %eq3A_489 = arith.cmpi eq, %iota3A_25, %eq3A_488 : vector<32x16xi32>
    %broadcast_in_dim3A_490 = vector.shape_cast %min3A_480 : vector<32x1xi32> to vector<32x1xi32>
    %broadcast_in_dim3A_491 = vector.broadcast %broadcast_in_dim3A_490 : vector<32x1xi32> to vector<32x16xi32>
    %select_n3A_492 = arith.select %eq3A_489, %broadcast_in_dim3A_491, %select_n3A_444 : vector<32x16xi1>, vector<32x16xi32>
    %swap3A_493 = arith.constant 0 : index
    %swap3A_494 = arith.constant 0 : index
    %swap3A_495 = vector.load %arg7[%swap3A_493, %swap3A_494] : memref<32x16xf32, #tpu.memory_space<vmem>>, vector<32x16xf32>
    tpu.vector_store %arg7[%swap3A_493, %swap3A_494], %select_n3A_486 {strides = array<i32>} : memref<32x16xf32, #tpu.memory_space<vmem>>, vector<32x16xf32>,
    %swap3A_496 = arith.constant 0 : index
    %swap3A_497 = arith.constant 0 : index
    %swap3A_498 = vector.load %arg8[%swap3A_496, %swap3A_497] : memref<32x16xi32, #tpu.memory_space<vmem>>, vector<32x16xi32>
    tpu.vector_store %arg8[%swap3A_496, %swap3A_497], %select_n3A_492 {strides = array<i32>} : memref<32x16xi32, #tpu.memory_space<vmem>>, vector<32x16xi32>,
    %eq3A_499 = arith.constant 24 : i32
    %eq3A_500 = arith.cmpi eq, %arg0, %eq3A_499 : i32
    %convert_element_type3A_501 = arith.extui %eq3A_500 : i1 to i32
    %cond3A_502 = arith.constant 0 : i32
    %cond3A_503 = arith.cmpi ne, %convert_element_type3A_501, %cond3A_502 : i32
    scf.if %cond3A_503 {
      %swap3A_504 = arith.constant 0 : index
      %swap3A_505 = arith.constant 0 : index
      %swap3A_506 = vector.load %arg5[%swap3A_504, %swap3A_505] : memref<32x16xf32, #tpu.memory_space<vmem>>, vector<32x16xf32>
      tpu.vector_store %arg5[%swap3A_504, %swap3A_505], %select_n3A_486 {strides = array<i32>} : memref<32x16xf32, #tpu.memory_space<vmem>>, vector<32x16xf32>,
      %swap3A_507 = arith.constant 0 : index
      %swap3A_508 = arith.constant 0 : index
      %swap3A_509 = vector.load %arg6[%swap3A_507, %swap3A_508] : memref<32x16xi32, #tpu.memory_space<vmem>>, vector<32x16xi32>
      tpu.vector_store %arg6[%swap3A_507, %swap3A_508], %select_n3A_492 {strides = array<i32>} : memref<32x16xi32, #tpu.memory_space<vmem>>, vector<32x16xi32>,
    } else {
    }
    return
  }
  func.func @transform_0(%arg0: i32) -> (i32, i32) {
    %c0_i32 = arith.constant 0 : i32
    %c0_i32_0 = arith.constant 0 : i32
    %c0_i32_1 = arith.constant 0 : i32
    return %c0_i32, %c0_i32_0 : i32, i32
  }
  func.func @transform_1(%arg0: i32) -> (i32, i32) {
    %c0_i32 = arith.constant 0 : i32
    %c0_i32_0 = arith.constant 0 : i32
    return %c0_i32, %arg0 : i32, i32
  }
  func.func @transform_2(%arg0: i32) -> (i32, i32) {
    %c0_i32 = arith.constant 0 : i32
    %c0_i32_0 = arith.constant 0 : i32
    return %c0_i32, %arg0 : i32, i32
  }
  func.func @transform_3(%arg0: i32) -> (i32, i32) {
    %c0_i32 = arith.constant 0 : i32
    %c0_i32_0 = arith.constant 0 : i32
    return %c0_i32, %arg0 : i32, i32
  }
  func.func @transform_4(%arg0: i32) -> (i32, i32) {
    %c0_i32 = arith.constant 0 : i32
    %c0_i32_0 = arith.constant 0 : i32
    %c0_i32_1 = arith.constant 0 : i32
    return %c0_i32, %c0_i32_0 : i32, i32
  }
  func.func @transform_5(%arg0: i32) -> (i32, i32) {
    %c0_i32 = arith.constant 0 : i32
    %c0_i32_0 = arith.constant 0 : i32
    %c0_i32_1 = arith.constant 0 : i32
    return %c0_i32, %c0_i32_0 : i32, i32
  }
}

module attributes {stable_mosaic.version = 14 : i64} {
  func.func @_assemble_kernel(%arg0: i32, %arg1: memref<32x4096xf32, #tpu.memory_space<vmem>>, %arg2: memref<32x4096xf32, #tpu.memory_space<vmem>>, %arg3: memref<32x4096xf32, #tpu.memory_space<vmem>>, %arg4: memref<32x4096xf32, #tpu.memory_space<vmem>>, %arg5: memref<32x4096xf32, #tpu.memory_space<vmem>>, %arg6: memref<32x4096xf32, #tpu.memory_space<vmem>>, %arg7: memref<32x4096xf32, #tpu.memory_space<vmem>>, %arg8: memref<32x8x4096xf32, #tpu.memory_space<vmem>>) attributes {dimension_semantics = [#tpu.dimension_semantics<arbitrary>], iteration_bounds = array<i64: 25>, scalar_prefetch = 0 : i64, scratch_operands = 0 : i64, tpu.core_type = #tpu.core_type<tc>, window_params = [{transform_indices = @transform_0, window_bounds = array<i64: 32, 4096>}, {transform_indices = @transform_1, window_bounds = array<i64: 32, 4096>}, {transform_indices = @transform_2, window_bounds = array<i64: 32, 4096>}, {transform_indices = @transform_3, window_bounds = array<i64: 32, 4096>}, {transform_indices = @transform_4, window_bounds = array<i64: 32, 4096>}, {transform_indices = @transform_5, window_bounds = array<i64: 32, 4096>}, {transform_indices = @transform_6, window_bounds = array<i64: 32, 4096>}, {transform_indices = @transform_7, window_bounds = array<i64: 32, 8, 4096>}]} {
    %broadcast_in_dim3A = arith.constant 0.000000e+00 : f32
    %broadcast_in_dim3A_0 = vector.broadcast %broadcast_in_dim3A : f32 to vector<32x4096xf32>
    %swap3A = arith.constant 0 : index
    %swap3A_1 = arith.constant 0 : index
    %swap3A_2 = arith.constant 0 : index
    %swap3A_3 = vector.load %arg8[%swap3A, %swap3A_1, %swap3A_2] : memref<32x8x4096xf32, #tpu.memory_space<vmem>>, vector<32x1x4096xf32>
    %swap3A_4 = vector.shape_cast %swap3A_3 : vector<32x1x4096xf32> to vector<32x4096xf32>
    %swap3A_5 = vector.shape_cast %broadcast_in_dim3A_0 : vector<32x4096xf32> to vector<32x1x4096xf32>
    tpu.vector_store %arg8[%swap3A, %swap3A_1, %swap3A_2], %swap3A_5 {strides = array<i32>} : memref<32x8x4096xf32, #tpu.memory_space<vmem>>, vector<32x1x4096xf32>,
    %get3A = arith.constant 0 : index
    %get3A_6 = arith.constant 0 : index
    %get3A_7 = vector.load %arg1[%get3A, %get3A_6] : memref<32x4096xf32, #tpu.memory_space<vmem>>, vector<32x4096xf32>
    %swap3A_8 = arith.constant 0 : index
    %swap3A_9 = arith.constant 1 : index
    %swap3A_10 = arith.constant 0 : index
    %swap3A_11 = vector.load %arg8[%swap3A_8, %swap3A_9, %swap3A_10] : memref<32x8x4096xf32, #tpu.memory_space<vmem>>, vector<32x1x4096xf32>
    %swap3A_12 = vector.shape_cast %swap3A_11 : vector<32x1x4096xf32> to vector<32x4096xf32>
    %swap3A_13 = vector.shape_cast %get3A_7 : vector<32x4096xf32> to vector<32x1x4096xf32>
    tpu.vector_store %arg8[%swap3A_8, %swap3A_9, %swap3A_10], %swap3A_13 {strides = array<i32>} : memref<32x8x4096xf32, #tpu.memory_space<vmem>>, vector<32x1x4096xf32>,
    %get3A_14 = arith.constant 0 : index
    %get3A_15 = arith.constant 0 : index
    %get3A_16 = vector.load %arg2[%get3A_14, %get3A_15] : memref<32x4096xf32, #tpu.memory_space<vmem>>, vector<32x4096xf32>
    %swap3A_17 = arith.constant 0 : index
    %swap3A_18 = arith.constant 2 : index
    %swap3A_19 = arith.constant 0 : index
    %swap3A_20 = vector.load %arg8[%swap3A_17, %swap3A_18, %swap3A_19] : memref<32x8x4096xf32, #tpu.memory_space<vmem>>, vector<32x1x4096xf32>
    %swap3A_21 = vector.shape_cast %swap3A_20 : vector<32x1x4096xf32> to vector<32x4096xf32>
    %swap3A_22 = vector.shape_cast %get3A_16 : vector<32x4096xf32> to vector<32x1x4096xf32>
    tpu.vector_store %arg8[%swap3A_17, %swap3A_18, %swap3A_19], %swap3A_22 {strides = array<i32>} : memref<32x8x4096xf32, #tpu.memory_space<vmem>>, vector<32x1x4096xf32>,
    %get3A_23 = arith.constant 0 : index
    %get3A_24 = arith.constant 0 : index
    %get3A_25 = vector.load %arg3[%get3A_23, %get3A_24] : memref<32x4096xf32, #tpu.memory_space<vmem>>, vector<32x4096xf32>
    %swap3A_26 = arith.constant 0 : index
    %swap3A_27 = arith.constant 3 : index
    %swap3A_28 = arith.constant 0 : index
    %swap3A_29 = vector.load %arg8[%swap3A_26, %swap3A_27, %swap3A_28] : memref<32x8x4096xf32, #tpu.memory_space<vmem>>, vector<32x1x4096xf32>
    %swap3A_30 = vector.shape_cast %swap3A_29 : vector<32x1x4096xf32> to vector<32x4096xf32>
    %swap3A_31 = vector.shape_cast %get3A_25 : vector<32x4096xf32> to vector<32x1x4096xf32>
    tpu.vector_store %arg8[%swap3A_26, %swap3A_27, %swap3A_28], %swap3A_31 {strides = array<i32>} : memref<32x8x4096xf32, #tpu.memory_space<vmem>>, vector<32x1x4096xf32>,
    %get3A_32 = arith.constant 0 : index
    %get3A_33 = arith.constant 0 : index
    %get3A_34 = vector.load %arg4[%get3A_32, %get3A_33] : memref<32x4096xf32, #tpu.memory_space<vmem>>, vector<32x4096xf32>
    %swap3A_35 = arith.constant 0 : index
    %swap3A_36 = arith.constant 4 : index
    %swap3A_37 = arith.constant 0 : index
    %swap3A_38 = vector.load %arg8[%swap3A_35, %swap3A_36, %swap3A_37] : memref<32x8x4096xf32, #tpu.memory_space<vmem>>, vector<32x1x4096xf32>
    %swap3A_39 = vector.shape_cast %swap3A_38 : vector<32x1x4096xf32> to vector<32x4096xf32>
    %swap3A_40 = vector.shape_cast %get3A_34 : vector<32x4096xf32> to vector<32x1x4096xf32>
    tpu.vector_store %arg8[%swap3A_35, %swap3A_36, %swap3A_37], %swap3A_40 {strides = array<i32>} : memref<32x8x4096xf32, #tpu.memory_space<vmem>>, vector<32x1x4096xf32>,
    %get3A_41 = arith.constant 0 : index
    %get3A_42 = arith.constant 0 : index
    %get3A_43 = vector.load %arg5[%get3A_41, %get3A_42] : memref<32x4096xf32, #tpu.memory_space<vmem>>, vector<32x4096xf32>
    %swap3A_44 = arith.constant 0 : index
    %swap3A_45 = arith.constant 5 : index
    %swap3A_46 = arith.constant 0 : index
    %swap3A_47 = vector.load %arg8[%swap3A_44, %swap3A_45, %swap3A_46] : memref<32x8x4096xf32, #tpu.memory_space<vmem>>, vector<32x1x4096xf32>
    %swap3A_48 = vector.shape_cast %swap3A_47 : vector<32x1x4096xf32> to vector<32x4096xf32>
    %swap3A_49 = vector.shape_cast %get3A_43 : vector<32x4096xf32> to vector<32x1x4096xf32>
    tpu.vector_store %arg8[%swap3A_44, %swap3A_45, %swap3A_46], %swap3A_49 {strides = array<i32>} : memref<32x8x4096xf32, #tpu.memory_space<vmem>>, vector<32x1x4096xf32>,
    %get3A_50 = arith.constant 0 : index
    %get3A_51 = arith.constant 0 : index
    %get3A_52 = vector.load %arg6[%get3A_50, %get3A_51] : memref<32x4096xf32, #tpu.memory_space<vmem>>, vector<32x4096xf32>
    %swap3A_53 = arith.constant 0 : index
    %swap3A_54 = arith.constant 6 : index
    %swap3A_55 = arith.constant 0 : index
    %swap3A_56 = vector.load %arg8[%swap3A_53, %swap3A_54, %swap3A_55] : memref<32x8x4096xf32, #tpu.memory_space<vmem>>, vector<32x1x4096xf32>
    %swap3A_57 = vector.shape_cast %swap3A_56 : vector<32x1x4096xf32> to vector<32x4096xf32>
    %swap3A_58 = vector.shape_cast %get3A_52 : vector<32x4096xf32> to vector<32x1x4096xf32>
    tpu.vector_store %arg8[%swap3A_53, %swap3A_54, %swap3A_55], %swap3A_58 {strides = array<i32>} : memref<32x8x4096xf32, #tpu.memory_space<vmem>>, vector<32x1x4096xf32>,
    %get3A_59 = arith.constant 0 : index
    %get3A_60 = arith.constant 0 : index
    %get3A_61 = vector.load %arg7[%get3A_59, %get3A_60] : memref<32x4096xf32, #tpu.memory_space<vmem>>, vector<32x4096xf32>
    %swap3A_62 = arith.constant 0 : index
    %swap3A_63 = arith.constant 7 : index
    %swap3A_64 = arith.constant 0 : index
    %swap3A_65 = vector.load %arg8[%swap3A_62, %swap3A_63, %swap3A_64] : memref<32x8x4096xf32, #tpu.memory_space<vmem>>, vector<32x1x4096xf32>
    %swap3A_66 = vector.shape_cast %swap3A_65 : vector<32x1x4096xf32> to vector<32x4096xf32>
    %swap3A_67 = vector.shape_cast %get3A_61 : vector<32x4096xf32> to vector<32x1x4096xf32>
    tpu.vector_store %arg8[%swap3A_62, %swap3A_63, %swap3A_64], %swap3A_67 {strides = array<i32>} : memref<32x8x4096xf32, #tpu.memory_space<vmem>>, vector<32x1x4096xf32>,
    return
  }
  func.func @transform_0(%arg0: i32) -> (i32, i32) {
    %c0_i32 = arith.constant 0 : i32
    %c0_i32_0 = arith.constant 0 : i32
    return %c0_i32, %arg0 : i32, i32
  }
  func.func @transform_1(%arg0: i32) -> (i32, i32) {
    %c0_i32 = arith.constant 0 : i32
    %c0_i32_0 = arith.constant 0 : i32
    return %c0_i32, %arg0 : i32, i32
  }
  func.func @transform_2(%arg0: i32) -> (i32, i32) {
    %c0_i32 = arith.constant 0 : i32
    %c0_i32_0 = arith.constant 0 : i32
    return %c0_i32, %arg0 : i32, i32
  }
  func.func @transform_3(%arg0: i32) -> (i32, i32) {
    %c0_i32 = arith.constant 0 : i32
    %c0_i32_0 = arith.constant 0 : i32
    return %c0_i32, %arg0 : i32, i32
  }
  func.func @transform_4(%arg0: i32) -> (i32, i32) {
    %c0_i32 = arith.constant 0 : i32
    %c0_i32_0 = arith.constant 0 : i32
    return %c0_i32, %arg0 : i32, i32
  }
  func.func @transform_5(%arg0: i32) -> (i32, i32) {
    %c0_i32 = arith.constant 0 : i32
    %c0_i32_0 = arith.constant 0 : i32
    return %c0_i32, %arg0 : i32, i32
  }
  func.func @transform_6(%arg0: i32) -> (i32, i32) {
    %c0_i32 = arith.constant 0 : i32
    %c0_i32_0 = arith.constant 0 : i32
    return %c0_i32, %arg0 : i32, i32
  }
  func.func @transform_7(%arg0: i32) -> (i32, i32, i32) {
    %c0_i32 = arith.constant 0 : i32
    %c0_i32_0 = arith.constant 0 : i32
    %c0_i32_1 = arith.constant 0 : i32
    return %c0_i32, %c0_i32_0, %arg0 : i32, i32, i32
  }
}

</mosaic_0001>

<sc_bundles>
// kernel: gather_offload_async_start
scs
__scs_entry_jumppad:
0x0: {  	(pc) =	sbr.rel $0x88, $3  }
0x1: {  	(tag) =	ssettag $0x0;
	lr =	simm.s32 $0x1  }
0x2: {  	[smem:$0x3F95] =	sst lr;
	_ =	strace $0xD0000000  }
0x3: {  	_ = 	snop  }
0x4: {  	_ = 	snop  }
0x5: {  	_ = 	snop  }
0x6: {  	_ = 	snop  }
0x7: {  	_ = 	snop  }
__scs_overlays_trampoline_lowered:
0x8: {  	[smem:$0x3FA4] =	sst s0  }
0x9: {  	[smem:$0x3FA5] =	sst s1  }
0xa: {  	[smem:$0x3FA6] =	sst s2  }
0xb: {  	[smem:$0x3FA7] =	sst s3  }
0xc: {  	[smem:$0x3FA8] =	sst s4  }
0xd: {  	[smem:$0x3FA9] =	sst s5  }
0xe: {  	[smem:$0x3FAA] =	sst s6  }
0xf: {  	[smem:$0x3FAB] =	sst s7  }
0x10: {  	[smem:$0x3FAC] =	sst s8  }
0x11: {  	[smem:$0x3FAD] =	sst s9;
	s0 =	simm.s32 @!p0 $0x0  }
0x12: {  	s1 =	sld [smem:$0x3F93];
	s0 =	simm.s32 @p0 $0x1  }
0x13: {  	[smem:$0x3FAE] =	sst s0;
	s0 =	simm.s32 @!p1 $0x0  }
0x14: {  	s2 =	sld [smem:$0x3F92];
	s0 =	simm.s32 @p1 $0x1  }
0x15: {  	[smem:$0x3FAF] =	sst s0;
	s0 =	simm.s32 @!p2 $0x0  }
0x16: {  	s3 =	sld [smem:$0x3FDB];
	s0 =	simm.s32 @p2 $0x1  }
0x17: {  	s4 =	simm.s32 $0x1BF5;
	[smem:$0x3FB1] =	sst s0  }
0x18: {  	s0 =	sld [smem:$0x3F94];
	_ =	swait.ge [sflag:s4], $0x0  }
0x19: {  	s7 =	sld [smem:$0x3F95]  }
0x1a: {  	s8 =	sadd.s32 $0xFFFFE003, lr  }
0x1b: {  	s9 =	sadd.s32 $0xFFFFFEF7, lr;
	s5 =	simm.s32 $0xFFFFFFFF;
	p2 =	slt.u32 s8, $0xFFFFF086  }
0x1c: {  	p1 =	slt.u32 s9, $0xF7A;
	s5 =	simm.s32 @!p2 $0x0  }
0x1d: {  	s5 =	simm.s32 @p1 $0x1;
	p0 =	seq.s32 s7, s2  }
0x1e: {  	s7 =	smul.u32 @!p0 $0xF7A, s2;
	p2 =	seq.s32 @!p0 s5, $0x0  }
0x1f: {  	s9 =	smul.u32 $0xF7A, s1;
	s8 =	simm.s32 @!p0 $0x1BF5;
	p2 =	por !p2, p0  }
0x20: {  	[sflag:s8] =	ssyncset.s32 @!p0 $0xFFFFF086;
	s6 =	sadd.s32 @!p0 s3, s7;
	s7 =	simm.s32 @!p0 $0x108  }
0x21: {  	s3 =	sadd.s32 s3, s9;
	s6 =	sadd.s32 @!p0 $0x88, s6;
	s7 =	simm.s32 @p2 $0x1082  }
0x22: {  	[simem:s7], [sflag:s8] =	dma.local @!p0 [hbm:s6], $0xF7A  }
0x23: {  	s9 =	sor.u32 $0xD0000000, s2;
	s6 =	simm.s32 $0x108;
	_ =	swait.ge @!p0 [sflag:s8], $0x0  }
0x24: {  	s3 =	sadd.s32 $0x88, s3;
	s6 =	simm.s32 @!p1 $0x1082;
	[sflag:s4] =	ssyncset.s32 $0xFFFFF086  }
0x25: {  	[simem:s6], [sflag:s4] =	dma.local [hbm:s3], $0xF7A  }
0x26: {  	[smem:$0x3F95] =	sst s1;
	(tag) =	ssettag s2;
	_ =	strace s9  }
0x27: {  	s1 =	sld [smem:$0x3FA5]  }
0x28: {  	s2 =	sld [smem:$0x3FA6]  }
0x29: {  	s4 =	sld [smem:$0x3FA8]  }
0x2a: {  	p0 =	seq.s32 s5, $0x0;
	s5 =	sld [smem:$0x3FA9]  }
0x2b: {  	s6 =	sld [smem:$0x3FAA]  }
0x2c: {  	s7 =	sld [smem:$0x3FAB]  }
0x2d: {  	s3 =	simm.s32 $0x108;
	s8 =	sld [smem:$0x3FAC]  }
0x2e: {  	s3 =	simm.s32 @!p0 $0x1082;
	s9 =	sld [smem:$0x3FAD]  }
0x2f: {  	lr =	sadd.s32 s0, s3;
	s0 =	sld [smem:$0x3FA4]  }
0x30: {  	s3 =	sld [smem:$0x3FA7]  }
0x31: {  	[smem:$0x3FB0] =	sst s10  }
0x32: {  	s10 =	sld [smem:$0x3FAE];
	_ =	sdelay $0x3  }
0x33: {  	p0 =	seq.s32 s10, $0x1;
	s10 =	sld [smem:$0x3FB0];
	_ =	sdelay $0x3  }
0x34: {  	[smem:$0x3FB0] =	sst s10  }
0x35: {  	s10 =	sld [smem:$0x3FAF];
	_ =	sdelay $0x3  }
0x36: {  	p1 =	seq.s32 s10, $0x1;
	s10 =	sld [smem:$0x3FB0];
	_ =	sdelay $0x3  }
0x37: {  	[smem:$0x3FB0] =	sst s10  }
0x38: {  	s10 =	sld [smem:$0x3FB1]  }
0x39: {  	_ = 	snop;
	(pc) =	sbr.ind lr, $3  }
0x3a: {  	_ = 	snop  }
0x3b: {  	_ = 	snop  }
0x3c: {  	p2 =	seq.s32 s10, $0x1;
	s10 =	sld [smem:$0x3FB0]  }
0x3d: {  	_ =	shalt  }
0x3e: {  	_ =	shalt  }
0x3f: {  	_ =	shalt  }
0x40: {  	_ =	shalt  }
0x41: {  	_ =	shalt  }
0x42: {  	_ =	shalt  }
0x43: {  	_ =	shalt  }
0x44: {  	_ =	shalt  }
0x45: {  	_ =	shalt  }
0x46: {  	_ =	shalt  }
0x47: {  	_ =	shalt  }
0x48: {  	_ =	shalt  }
0x49: {  	_ =	shalt  }
0x4a: {  	_ =	shalt  }
0x4b: {  	_ =	shalt  }
0x4c: {  	_ =	shalt  }
0x4d: {  	_ =	shalt  }
0x4e: {  	_ =	shalt  }
0x4f: {  	_ =	shalt  }
0x50: {  	_ =	shalt  }
0x51: {  	_ =	shalt  }
0x52: {  	_ =	shalt  }
0x53: {  	_ =	shalt  }
0x54: {  	_ =	shalt  }
0x55: {  	_ =	shalt  }
0x56: {  	_ =	shalt  }
0x57: {  	_ =	shalt  }
0x58: {  	_ =	shalt  }
0x59: {  	_ =	shalt  }
0x5a: {  	_ =	shalt  }
0x5b: {  	_ =	shalt  }
0x5c: {  	_ =	shalt  }
0x5d: {  	_ =	shalt  }
0x5e: {  	_ =	shalt  }
0x5f: {  	_ =	shalt  }
0x60: {  	_ =	shalt  }
0x61: {  	_ =	shalt  }
0x62: {  	_ =	shalt  }
0x63: {  	_ =	shalt  }
0x64: {  	_ =	shalt  }
0x65: {  	_ =	shalt  }
0x66: {  	_ =	shalt  }
0x67: {  	_ =	shalt  }
0x68: {  	_ =	shalt  }
0x69: {  	_ =	shalt  }
0x6a: {  	_ =	shalt  }
0x6b: {  	_ =	shalt  }
0x6c: {  	_ =	shalt  }
0x6d: {  	_ =	shalt  }
0x6e: {  	_ =	shalt  }
0x6f: {  	_ =	shalt  }
0x70: {  	_ =	shalt  }
0x71: {  	_ =	shalt  }
0x72: {  	_ =	shalt  }
0x73: {  	_ =	shalt  }
0x74: {  	_ =	shalt  }
0x75: {  	_ =	shalt  }
0x76: {  	_ =	shalt  }
0x77: {  	_ =	shalt  }
0x78: {  	_ =	shalt  }
0x79: {  	_ =	shalt  }
0x7a: {  	_ =	shalt  }
0x7b: {  	_ =	shalt  }
0x7c: {  	_ =	shalt  }
0x7d: {  	_ =	shalt  }
0x7e: {  	_ =	shalt  }
0x7f: {  	_ =	shalt  }
0x80: {  	_ =	shalt  }
0x81: {  	_ =	shalt  }
0x82: {  	_ =	shalt  }
0x83: {  	_ =	shalt  }
0x84: {  	_ =	shalt  }
0x85: {  	_ =	shalt  }
0x86: {  	_ =	shalt  }
0x87: {  	_ =	shalt  }
.Lfunc_end0:
.L_simem_size_0:
called_computation_lowered:
.L_overlay_start_0:
0x88: {  	s2 =	sld [smem:$0x3FD9]  }
0x89: {  	s3 =	sld [smem:$0x3FFE];
	_ =	sdelay $0x1  }
0x8a: {  	s1 =	srdreg.scid  }
0x8b: {  	s0 =	sand.u32 $0x1, s1  }
0x8c: {  	s17 =	sshll.u32 s0, $0xA;
	s2 =	sadd.s32 s3, s2  }
0x8d: {  	s2 =	sadd.s32 s2, s17  }
0x8e: {  	[smem:$0x3FBC] =	sst s2  }
0x8f: {  	_ = 	snop  }
0x90: {  	s2 =	sld [smem:$0x3FC7]  }
0x91: {  	s18 =	sld [smem:$0x3FD0];
	(tm) =	ssettm $0x1  }
0x92: {  	s4 =	sld [smem:$0x3FFB];
	_ =	sdelay $0x3  }
0x93: {  	_ =	strace s4  }
0x94: {  	s4 =	sld [smem:$0x3FFC];
	_ =	sdelay $0x3  }
0x95: {  	_ =	strace s4  }
0x96: {  	s4 =	sld [smem:$0x3FFD];
	_ =	sdelay $0x3  }
0x97: {  	_ =	strace s4  }
0x98: {  	_ =	strace $0x8FFFFFFF  }
0x99: {  	s19 =	sld [smem:$0x3FDB];
	_ =	sdelay $0x1  }
0x9a: {  	s5 =	simm.s32 $_scs_section_size  }
0x9b: {  	s6 =	simm.s32 $_size__tile_overlayer_lowered;
	s7 =	simm.s32 $_tile_overlayer_lowered  }
0x9c: {  	s22 =	simm.s32 $0x1BFF;
	s21 =	sshll.u32 s7, $0x1;
	s4 =	sadd.s32 s5, s19  }
0x9d: {  	s8 =	simm.s32 $0x0;
	s20 =	sshll.u32 s6, $0x1;
	s6 =	sadd.s32 s21, s4  }
0x9e: {  	[timem:s8], [sflag:s22] =	dma.local [hbm:s6], s20  }
0x9f: {  	_ =	swait.ge [sflag:s22], s20  }
0xa0: {  	s5 =	ssub.s32 $0x0, s20;
	[sflag:s22] =	ssyncset.done $0x0  }
0xa1: {  	[sflag:s22] =	ssyncadd.s32 s5;
	_ =	sdelay $0x1  }
0xa2: {  	s23 =	simm.s32 $0x1B8B  }
0xa3: {  	_ =	swait.ge [sflag:s23], $0x1  }
0xa4: {  	[sflag:s23] =	ssyncset.done $0x0  }
0xa5: {  	s25 =	simm.s32 $0x1B8E;
	s24 =	sld [smem:$0x3FFE];
	[sflag:s23] =	ssyncadd.s32 $0xFFFFFFFF  }
0xa6: {  	s26 =	simm.s32 $execute0_lowered;
	[smem:$0x3FD2] =	sst s25  }
0xa7: {  	s6 =	sshll.u32 s26, $0x1;
	_ =	strace $0x80000046;
	[dreg:$0x1] =	wrdreg $0xFFFFFFFF  }
0xa8: {  	s28 =	simm.s32 $_size_execute0_lowered;
	s4 =	sadd.s32 s4, s6;
	[dreg:$0x0] =	wrdreg $0x0  }
0xa9: {  	s6 =	sshll.u32 s28, $0x1;
	[dreg:$0x2] =	wrdreg s4  }
0xaa: {  	[dreg:$0x3] =	wrdreg s6  }
0xab: {  	[dreg:$0x4] =	wrdreg $0xC0  }
0xac: {  	_ =	task [dreg:s8], $0x5FFFF  }
0xad: {  	[dreg:$0x1] =	wrdreg $0xFFFFFFFF  }
0xae: {  	[dreg:$0x0] =	wrdreg $0x60  }
0xaf: {  	[dreg:$0x2] =	wrdreg s2  }
0xb0: {  	[dreg:$0x3] =	wrdreg s24  }
0xb1: {  	[dreg:$0x4] =	wrdreg s18  }
0xb2: {  	[dreg:$0x5] =	wrdreg $0x9  }
0xb3: {  	_ =	task.clear_ibuf [dreg:s8], $0x6FFFF;
	_ =	strace $0x90000046  }
0xb4: {  	s29 =	simm.s32 $0x9;
	_ =	strace $0x80000048  }
0xb5: {  	_ =	swait.ge [sflag:s29], $0x1  }
0xb6: {  	[sflag:s29] =	ssyncadd.s32 $0xFFFFFFFF  }
0xb7: {  	_ =	strace $0x90000048  }
0xb8: {  	_ =	sfence  }
0xb9: {  	s30 =	sld [smem:$0x0];
	_ =	sdelay $0x2  }
0xba: {  	s31 =	sshll.u32 s1, $0xD;
	s1 =	sshrl.u32 s1, $0x2  }
0xbb: {  	s3 =	sand.u32 $0x4000, s31;
	s1 =	sadd.s32 s1, s30  }
0xbc: {  	s0 =	sor.u32 s3, s0;
	s1 =	sshll.u32 s1, $0x11  }
0xbd: {  	s0 =	sor.u32 s1, s0  }
0xbe: {  	s0 =	sadd.s32 $0x8F2B, s0  }
0xbf: {  	[sflag:s0] =	ssyncadd.remote.s32 $0x1  }
0xc0: {  	_ =	sfence.sel $0xFFFF  }
0xc1: {  	[dreg:$0x0] =	wrdreg $0xFFFFFFFF;
	(pc) =	sbr.abs _section_cstart, $3  }
0xc2: {  	[dreg:$0x1] =	wrdreg $0xFFFFFFFF  }
0xc3: {  	_ =	task.clear_ibuf [dreg:s8], $0x2FFFF;
	_ =	strace $0x9FFFFFFF  }
0xc4: {  	(tm) =	ssettm $0x7FFFFFFF  }
0xc5: {  	_ =	shalt  }
tec
execute0_lowered:
.L_overlay_start_1:
0x0: {  	(tag) =	ssettag $0x1  }
0x1: {  	s0 =	srdreg.scid  }
0x2: {  	s1 =	sshll.u32 s0, $0x4  }
0x3: {  	s0 =	stileid.u32;
	s1 =	sand.u32 $0x10, s1  }
0x4: {  	s9 =	rddreg [dreg:$0x1];
	s1 =	sor.u32 s0, s1  }
0x5: {  	s4 =	rddreg [dreg:$0x2];
	s2 =	smin.u32 s1, $0x12  }
0x6: {  	p0 =	slt.u32 s1, $0x12;
	s3 =	sadd.s32 s1, s2;
	s1 =	simm.s32 $0x40  }
0x7: {  	s6 =	simm.s32 $0x1;
	s3 =	sshll.u32 s3, $0x5;
	s1 =	simm.s32 @!p0 $0x20  }
0x8: {  	s7 =	simm.s32 $0x2;
	s10 =	simm.s32 $0x3;
	s1 =	sadd.s32 s1, s3  }
0x9: {  	s13 =	simm.s32 $0x0;
	s12 =	simm.s32 $0x0;
	s5 =	smin.u32 s1, $0x640  }
.Ltmp0:
0xa: {  	s2 =	rddreg [dreg:$0x0];
	s8 =	ssub.s32 s5, s3;
	(pc) =	sbr.rel .LBB2_1-.Ltmp0, $4  }
0xb: {  	s1 =	rddreg [dreg:$0x3];
	_ =	strace $0x80000047;
	p0 =	sgt.s32 s8, $0x0  }
0xc: {  	s9 =	sadd.s32 $0x1C00, s9;
	[sflag:s6] =	ssyncpa.u1 $0x0;
	s8 =	simm.s32 @!p0 $0x0  }
0xd: {  	s11 =	smov.u32 s3;
	[sflag:s7] =	ssyncpa.u1 $0x0;
	s8 =	sshrl.u32 s8, $0x5  }
0xe: {  	vm0 =	vmmov $0xff;
	vm1 =	vcmask $0x3F20;
	[sflag:s10] =	ssyncpa.u1 $0x0;
	p0 =	por $0x0, $0x0;
	s10 =	sadd.s32 $0x1, s8  }
.LBB2_8:
0xf: {  	[hbm:s17] =	stream.linear.scatter [tilespmem:s14], [sflag:$0x3], $0x800, $0x38;
	[tilespmem:$0x4040] =	vst v63  }
.LBB2_9:
0x10: {  	s13 =	sadd.s32 $0x20, s11  }
0x11: {  	s15 =	smov.u32 s3;
	p2 =	slt.s32 s13, s5  }
0x12: {  	s15 =	smov.u32 @p2 s13;
	p2 =	sne.s32 s12, s10  }
.Ltmp1:
0x13: {  	p1 =	slt.u32 s12, $0x2;
	(pc) =	sbr.rel @!p2 .LBB2_10-.Ltmp1, $4  }
0x14: {  	s14 =	simm.s32 @!p1 $0x3  }
0x15: {  	s16 =	sadd.s32 $0x1, s12;
	_ =	swait.ge @!p1 [sflag:s14], $0x2000  }
0x16: {  	p0 =	por !p0, !p0;
	s13 =	smov.u32 s11;
	[sflag:s14] =	ssyncset.done @!p1 $0x0  }
0x17: {  	s12 =	smov.u32 s16;
	s11 =	smov.u32 s15;
	[sflag:s14] =	ssyncadd.s32 @!p1 $0xFFFFE000  }
.LBB2_1:
0x18: {  	p1 =	sge.u32 s12, s8  }
0x19: {  	s14 =	sxor.u32 @!p1 $0xFFFFFFFF, s12  }
0x1a: {  	s31 =	sadd.s32 $0xFFFFFFFF, s12;
	s15 =	sshrl.u32 @!p1 s11, $0x3;
	s14 =	sshll.u32 @!p1 s14, $0x5  }
0x1b: {  	s16 =	sand.u32 @!p1 $0x7, s11;
	s15 =	sadd.s32 @!p1 s9, s15;
	s14 =	sand.u32 @!p1 $0x20, s14  }
0x1c: {  	[tilespmem:s14], [sflag:$0x2] =	stream.linear.gather @!p1 [hbm4b:s15+s16], $0x20, $0x38;
	[tilespmem:$0x4040] =	vst v63  }
0x1d: {  	p1 =	sge.u32 s31, s8  }
.Ltmp2:
0x1e: {  	_ = 	snop;
	(pc) =	sbr.rel @p1 .LBB2_9-.Ltmp2, $1  }
0x1f: {  	_ =	sdelay $0x3  }
0x20: {  	s14 =	simm.s32 $0x1  }
0x21: {  	_ =	swait.ge [sflag:s7], $0x20;
	s16 =	sand.u32 $0x1, s12;
	s17 =	simm.s32 $0x0  }
0x22: {  	p2 =	por $0x1, $0x1;
	s14 =	simm.s32 @!p0 $0x0;
	[sflag:s7] =	ssyncset.done $0x0  }
0x23: {  	s15 =	sshll.u32 s16, $0x5;
	s16 =	sshll.u32 s16, $0xD;
	s14 =	sshll.u32 s14, $0xD  }
0x24: {  	[sflag:s7] =	ssyncadd.s32 $0xFFFFFFE0;
	s16 =	sor.u32 $0x40, s16;
	s14 =	sor.u32 $0x40, s14  }
.LBB2_3:
0x25: {  	s18 =	sshll.u32 s17, $0x4  }
0x26: {  	s18 =	sand.u32 $0x3FFFFFF0, s18  }
0x27: {  	s18 =	sadd.s32 s18, s15  }
0x28: {  	v0 =	vld.msk [tilespmem:s18+$0x0 ss:$0x1], $0xffff;
	_ =	sdelay $0x4  }
0x29: {  	vm2 =	vgt.s32 v0, $0x0  }
0x2a: {  	v0 =	vnsel vm2, $0x0, v0  }
0x2b: {  	v0 =	vmin.u32 v0, $0x1869F  }
0x2c: {  	s31 =	sshll.u32 s17, $0xC;
	v1 =	vshll.u32 v0, $0x5;
	v0 =	vshll.u32 v0, $0x4  }
0x2d: {  	p1 =	por p2, p2;
	s17 =	sand.u32 $0x3FFFF000, s31;
	v1 =	vand.u32 $0x3FFF00, v1;
	v0 =	vand.u32 $0x70, v0  }
0x2e: {  	p2 =	por $0x1, $0x1;
	s17 =	sadd.s32 s17, s16;
	s18 =	simm.s32 $0x0;
	v0 =	vor.u32 v0, v1  }
.LBB2_4:
0x2f: {  	_ =	sdelay $0x1  }
0x30: {  	s18 =	sshra.s32 s18, $0x2;
	p3 =	por p2, p2  }
.Ltmp3:
0x31: {  	s18 =	sadd.s32 s18, s17;
	(pc) =	sbr.rel @p3 .LBB2_4-.Ltmp3, $4  }
0x32: {  	[tilespmem:s18], [sflag:$0x1] =	stream.indirect_vreg.gather [hbm:s2], $0x80, v0, vm0, $0x38;
	[tilespmem:$0x4040] =	vst v63  }
0x33: {  	s18 =	sadd.s32 $0x800, s18  }
0x34: {  	[tilespmem:s18], [sflag:$0x1] =	stream.indirect_vreg.gather [hbm:s2], $0x80, v0, vm1, $0x38;
	[tilespmem:$0x4040] =	vst v63  }
0x35: {  	p2 =	por $0x0, $0x0;
	v0 =	vadd.s32 $0x80, v0;
	s18 =	simm.s32 $0x1000  }
.Ltmp4:
0x36: {  	(pc) =	sbr.rel @p1 .LBB2_3-.Ltmp4, $2  }
0x37: {  	_ =	sdelay $0x2  }
0x38: {  	s17 =	simm.s32 $0x1;
	p2 =	por $0x0, $0x0  }
0x39: {  	s15 =	sshll.u32 s13, $0x5  }
0x3a: {  	s31 =	sshll.u32 s13, $0x4;
	s15 =	sand.u32 $0xFFFFFF00, s15  }
0x3b: {  	_ =	swait.ge [sflag:s6], $0x2000;
	s13 =	sand.u32 $0x70, s31;
	s15 =	sadd.s32 s15, s4  }
0x3c: {  	s16 =	sadd.s32 $0x800, s14;
	[sflag:s6] =	ssyncset.done $0x0;
	s13 =	sadd.s32 s13, s15  }
0x3d: {  	[sflag:s6] =	ssyncadd.s32 $0xFFFFE000;
	s15 =	simm.s32 $0x100;
	s17 =	sadd.s32 $0x0, s13  }
.LBB2_7:
0x3e: {  	[hbm:s17] =	stream.linear.scatter [tilespmem:s14], [sflag:$0x3], $0x800, $0x38;
	[tilespmem:$0x4040] =	vst v63  }
0x3f: {  	s17 =	smov.u32 s15;
	s14 =	smov.u32 s16;
	p1 =	sne.s32 s15, $0x300  }
.Ltmp5:
0x40: {  	s15 =	sadd.s32 $0x100, s15;
	(pc) =	sbr.rel @p1 .LBB2_7-.Ltmp5, $2  }
0x41: {  	_ =	sdelay $0x2  }
0x42: {  	s16 =	sadd.s32 $0x800, s16;
	s17 =	sadd.s32 s17, s13  }
.Ltmp6:
0x43: {  	_ = 	snop;
	(pc) =	sbr.rel .LBB2_8-.Ltmp6, $1  }
0x44: {  	_ =	sdelay $0x3  }
.LBB2_10:
0x45: {  	_ =	sfence.sel $0x180000  }
0x46: {  	s2 =	simm.s32 $0x2;
	[bflag:$0x0] =	sbarrier.arrive $0xFFFF  }
0x47: {  	s30 =	simm.s32 $0x3;
	[sflag:s2] =	ssyncpa.u1 $0x1  }
0x48: {  	s31 =	simm.s32 $0x1;
	[sflag:s30] =	ssyncpa.u1 $0x1  }
0x49: {  	[sflag:s31] =	ssyncpa.u1 $0x1  }
0x4a: {  	p0 =	sne.s32 s0, $0x0;
	_ =	strace $0x90000047  }
0x4b: {  	s0 =	sadd.s32 @!p0 $0x100000, s1;
	[bflag:$0x2] =	sbarrier.arrive $0xFFFF  }
0x4c: {  	[sflag:s0] =	ssyncadd.tile.s32 @!p0 $0x1;
	_ =	shalt  }
.Lfunc_end2:
_tile_overlayer_lowered:
.L_overlay_start_2:
0x4d: {  	(tag) =	ssettag $0x2  }
0x4e: {  	s0 =	rddreg [dreg:$0x0];
	s2 =	stileid.u32  }
0x4f: {  	s1 =	rddreg [dreg:$0x1];
	p0 =	sne.s32 s2, $0x0  }
0x50: {  	s3 =	rddreg [dreg:$0x2];
	[bflag:$0x3] =	sbarrier.arrive $0xFFFF;
	s2 =	simm.s32 @!p0 $0x1C01  }
0x51: {  	[timem:s3], [sflag:s2] =	dma.local @!p0 [hbm:s0], s1  }
0x52: {  	s0 =	simm.s32 @!p0 $0x1  }
0x53: {  	_ =	swait.ge @!p0 [sflag:s0], s1  }
0x54: {  	s1 =	ssub.s32 @!p0 $0x0, s1;
	[sflag:s0] =	ssyncset.done @!p0 $0x0  }
0x55: {  	[sflag:s0] =	ssyncadd.s32 @!p0 s1  }
0x56: {  	[bflag:$0x3] =	sbarrier.arrive $0xFFFF  }
0x57: {  	_ =	shalt  }

</sc_bundles>
